<compile_context>
chip_gen: v7x
topology: tpu7x:2x2x1
jax: 0.10.2.dev20260603
libtpu: 0.0.44.dev20260713+nightly
codegen_flags: <defaults>
</compile_context>

<pallas_src>
import functools

import jax
import jax.numpy as jnp
from jax import lax
from jax.experimental import pallas as pl
from jax.experimental.pallas import tpu as pltpu
from jax.experimental.pallas import tpu_sc as plsc

NX = 100000
NQ = 4096
D = 64
C = 64
K = 6
KPAD = 8

BQ = 512
BN = 6400
NB = 16
NPAD = NB * BN

NW = 32
QPW = NQ // NW
PPW = QPW * K
NCH = PPW // 128


def _topk_body(q_ref, x_ref, xsq_ref, val_ref, idx_ref, cval_ref, cidx_ref):
    j = pl.program_id(1)
    inf = jnp.float32(jnp.inf)
    imax = jnp.int32(2**31 - 1)

    @pl.when(j == 0)
    def _init():
        cval_ref[...] = jnp.full((NB, BQ, KPAD), jnp.inf, jnp.float32)
        cidx_ref[...] = jnp.zeros((NB, BQ, KPAD), jnp.int32)

    qb = q_ref[...]
    xb = x_ref[...]
    s = -2.0 * lax.dot_general(qb, xb, (((1,), (1,)), ((), ())),
                               preferred_element_type=jnp.float32)
    s = s + xsq_ref[...]

    liota = lax.broadcasted_iota(jnp.int32, (BQ, BN), 1)

    bvals, bidxs = [], []
    for _ in range(K):
        m = jnp.min(s, axis=1, keepdims=True)
        midx = jnp.where(s == m, liota, imax)
        am = jnp.min(midx, axis=1, keepdims=True)
        bvals.append(m)
        bidxs.append(j * BN + am)
        s = jnp.where(midx == am, inf, s)

    pad_v = jnp.full((BQ, KPAD - K), jnp.inf, jnp.float32)
    pad_i = jnp.zeros((BQ, KPAD - K), jnp.int32)
    cval_ref[j] = jnp.concatenate(bvals + [pad_v], 1)
    cidx_ref[j] = jnp.concatenate(bidxs + [pad_i], 1)

    @pl.when(j == NB - 1)
    def _finish():
        cval = cval_ref[...]
        cidx = cidx_ref[...]
        nv, ni = [], []
        for _ in range(K):
            m = jnp.min(jnp.min(cval, axis=0), axis=1, keepdims=True)
            eq = cval == m[None, :, :]
            ci = jnp.min(jnp.min(jnp.where(eq, cidx, imax), axis=0), axis=1,
                         keepdims=True)
            nv.append(m)
            ni.append(ci)
            cval = jnp.where(eq & (cidx == ci[None, :, :]), inf, cval)

        qsq = jnp.sum(qb * qb, axis=1, keepdims=True)
        vals = jnp.concatenate(nv + [pad_v], axis=1)
        val_ref[...] = jnp.sqrt(jnp.maximum(vals + qsq, 0.0))
        idx_ref[...] = jnp.concatenate(ni + [pad_i], axis=1)


_topk = pl.pallas_call(
    _topk_body,
    grid=(NQ // BQ, NB),
    in_specs=[
        pl.BlockSpec((BQ, D), lambda i, j: (i, 0)),
        pl.BlockSpec((BN, D), lambda i, j: (j, 0)),
        pl.BlockSpec((1, BN), lambda i, j: (0, j)),
    ],
    out_specs=[
        pl.BlockSpec((BQ, KPAD), lambda i, j: (i, 0)),
        pl.BlockSpec((BQ, KPAD), lambda i, j: (i, 0)),
    ],
    out_shape=[
        jax.ShapeDtypeStruct((NQ, KPAD), jnp.float32),
        jax.ShapeDtypeStruct((NQ, KPAD), jnp.int32),
    ],
    scratch_shapes=[
        pltpu.VMEM((NB, BQ, KPAD), jnp.float32),
        pltpu.VMEM((NB, BQ, KPAD), jnp.int32),
    ],
    compiler_params=pltpu.CompilerParams(
        dimension_semantics=("parallel", "arbitrary"),
        vmem_limit_bytes=100 * 1024 * 1024,
    ),
)


def _combine_body(zt_hbm, ix_hbm, w_hbm, out_hbm, idx_v, w_v, rows_v, out_v,
                  sem):
    wid = lax.axis_index("s") * 2 + lax.axis_index("c")

    pltpu.sync_copy(ix_hbm.at[wid], idx_v)
    pltpu.sync_copy(w_hbm.at[wid], w_v)

    copies = []
    for ch in range(NCH):
        copies.append(
            pltpu.async_copy(zt_hbm.at[idx_v.at[ch]],
                             rows_v.at[pl.ds(ch * 128, 128)], sem))
    for cp in copies:
        cp.wait()

    def qbody(qi, carry):
        ws = [w_v[qi * K + k, :] for k in range(K)]
        for c4 in range(C // 16):
            sl = pl.ds(c4 * 16, 16)
            acc = ws[0] * rows_v[qi * K, sl]
            for k in range(1, K):
                acc = acc + ws[k] * rows_v[qi * K + k, sl]
            out_v[qi, sl] = acc
        return carry

    lax.fori_loop(0, QPW, qbody, 0)
    pltpu.sync_copy(out_v, out_hbm.at[pl.ds(wid * QPW, QPW)])


@functools.lru_cache(maxsize=1)
def _get_combine():
    return functools.partial(
        pl.kernel,
        out_type=jax.ShapeDtypeStruct((NQ, C), jnp.float32),
        mesh=plsc.VectorSubcoreMesh(core_axis_name="c", subcore_axis_name="s"),
        scratch_types=[
            pltpu.VMEM((NCH, 128), jnp.int32),
            pltpu.VMEM((PPW, 16), jnp.float32),
            pltpu.VMEM((PPW, C), jnp.float32),
            pltpu.VMEM((QPW, C), jnp.float32),
            pltpu.SemaphoreType.DMA,
        ],
        compiler_params=pltpu.CompilerParams(use_tc_tiling_on_sc=False),
    )(_combine_body)


@jax.jit
def kernel(x, q, z):
    xpad = jnp.pad(x, ((0, NPAD - NX), (0, 0)))
    xsq = jnp.sum(xpad * xpad, axis=1)
    xsq = jnp.where(jnp.arange(NPAD) < NX, xsq, 1e30).reshape(1, NPAD)

    dist, ix = _topk(q, xpad, xsq)
    dist = dist[:, :K]
    ix = ix[:, :K]

    sigma_squared = jnp.square(jnp.median(dist)) / 9.0
    w = (1.0 / jnp.sqrt(2.0 * jnp.pi * sigma_squared)) * jnp.exp(
        -0.5 * dist * dist / sigma_squared)
    w = w / jnp.sum(w, axis=-1, keepdims=True)
    w = jnp.nan_to_num(w, nan=1.0 / K).astype(jnp.float32)

    zt = z.T
    ixr = ix.reshape(NW, NCH, 128)
    wb = jnp.broadcast_to(w.reshape(NW, PPW, 1), (NW, PPW, 16))
    out = _get_combine()(zt, ixr, wb)
    return out.T

# --- scband reference (transcript-rebuilt; emitter-appended) ---
"""Pipeline reference for scband-inv-dist-tree-24842090840402 (READ-ONLY COPY).

The authoritative reference and input builder live on the scoring server;
editing this copy changes nothing except your own understanding.
"""

import jax, jax.numpy as jnp
import numpy as np

N_X = 100000
N_Q = 4096
D = 64
C = 64
N_NEAR = 6


def setup_inputs(seed: int = 0) -> dict:
    key = jax.random.key(seed)
    kx, kq, kz = jax.random.split(key, 3)
    x = jax.random.normal(kx, (N_X, D), dtype=jnp.float32)
    q = jax.random.normal(kq, (N_Q, D), dtype=jnp.float32)
    z = jax.random.normal(kz, (C, N_X), dtype=jnp.float32)
    return {"x": x, "q": q, "z": z}


def _knn_weights(x, q, n_near):
    # Brute-force exact euclidean KNN (replaces sklearn KDTree.query)
    q_sq = jnp.sum(q * q, axis=1, keepdims=True)            # [Q, 1]
    x_sq = jnp.sum(x * x, axis=1)[None, :]                  # [1, N]
    d2 = q_sq - 2.0 * (q @ x.T) + x_sq                      # [Q, N]
    d2 = jnp.maximum(d2, 0.0)
    neg_d2, ix = jax.lax.top_k(-d2, n_near)                 # smallest distances
    distances = jnp.sqrt(-neg_d2)                           # [Q, n_near]
    # gaussian inv-dist mode: sigma^2 = median(dist)^2 / 9 / k  (k = 1)
    sigma_squared = jnp.square(jnp.median(distances)) / 9.0
    weights = (1.0 / jnp.sqrt(2.0 * jnp.pi * sigma_squared)) * jnp.exp(
        -0.5 * distances * distances / sigma_squared
    )
    weights = weights / jnp.sum(weights, axis=-1, keepdims=True)
    weights = jnp.nan_to_num(weights, nan=1.0 / n_near)
    return ix, weights.astype(jnp.float32)


def reference(x, q, z):
    # __init__: build tree + calc_interpolation_weights
    ix, weights = _knn_weights(x, q, N_NEAR)
    # __call__: res = (z[..., ix] * weights).sum(-1)
    res = (z[..., ix] * weights).sum(-1)                    # [C, Q]
    return res

if __name__ == "__main__":
    import jax
    _d = setup_inputs()
    print(jax.jit(kernel)(*tuple(_d.values())))

</pallas_src>

<mosaic_0001>
#map = affine_map<(d0, d1) -> (0, 0)>
#map1 = affine_map<(d0, d1) -> (0, 0, 0)>
module attributes {stable_mosaic.version = 14 : i64} {
  func.func @_combine_body(%arg0: i32, %arg1: i32, %arg2: memref<100000x64xf32, #tpu.memory_space<hbm>>, %arg3: memref<32x6x128xi32, #tpu.memory_space<hbm>>, %arg4: memref<32x768x16xf32, #tpu.memory_space<hbm>>, %arg5: memref<4096x64xf32, #tpu.memory_space<hbm>>, %arg6: memref<6x128xi32, #tpu.memory_space<vmem>>, %arg7: memref<768x16xf32, #tpu.memory_space<vmem>>, %arg8: memref<768x64xf32, #tpu.memory_space<vmem>>, %arg9: memref<128x64xf32, #tpu.memory_space<vmem>>, %arg10: memref<!tpu.dma_semaphore, #tpu.memory_space<semaphore_mem>>) attributes {dimension_semantics = [#tpu.dimension_semantics<core_parallel>, #tpu.dimension_semantics<subcore_parallel>], iteration_bounds = array<i64: 2, 16>, scalar_prefetch = 0 : i64, scratch_operands = 5 : i64, tpu.core_type = #tpu.core_type<sc_vector_subcore>, window_params = [{transform_indices = #map}, {transform_indices = #map1}, {transform_indices = #map1}, {transform_indices = #map}]} {
    %mul3A = arith.constant 2 : i32
    %mul3A_0 = arith.muli %arg1, %mul3A : i32
    %add3A = arith.addi %mul3A_0, %arg0 : i32
    "tpu.region"() ({
      %run_scoped3A = tpu.sem_alloc : memref<!tpu.dma_semaphore, #tpu.memory_space<semaphore_mem>>
      %dma_start3A_126 = arith.constant 0 : i32
      %dma_start3A_127 = arith.constant 0 : i32
      %dma_start3A_128 = tpu.memref_slice %arg3[%add3A, %dma_start3A_126, %dma_start3A_127] : memref<32x6x128xi32, #tpu.memory_space<hbm>> -> memref<1x6x128xi32, #tpu.memory_space<hbm>>
      %dma_start3A_129 = tpu.memref_squeeze %dma_start3A_128 : memref<1x6x128xi32, #tpu.memory_space<hbm>> -> memref<6x128xi32, #tpu.memory_space<hbm>>
      %dma_start3A_130 = arith.constant 0 : i32
      %dma_start3A_131 = arith.constant 0 : i32
      %dma_start3A_132 = tpu.memref_slice %arg3[%add3A, %dma_start3A_130, %dma_start3A_131] : memref<32x6x128xi32, #tpu.memory_space<hbm>> -> memref<1x6x128xi32, #tpu.memory_space<hbm>>
      %dma_start3A_133 = tpu.memref_squeeze %dma_start3A_132 : memref<1x6x128xi32, #tpu.memory_space<hbm>> -> memref<6x128xi32, #tpu.memory_space<hbm>>
      tpu.enqueue_dma source(%dma_start3A_133 : memref<6x128xi32, #tpu.memory_space<hbm>>) target(%arg6 : memref<6x128xi32, #tpu.memory_space<vmem>>) target_semaphore(%run_scoped3A : memref<!tpu.dma_semaphore, #tpu.memory_space<semaphore_mem>>)
      %dma_wait3A_134 = arith.constant 0 : i32
      %dma_wait3A_135 = arith.constant 0 : i32
      %dma_wait3A_136 = tpu.memref_slice %arg3[%add3A, %dma_wait3A_134, %dma_wait3A_135] : memref<32x6x128xi32, #tpu.memory_space<hbm>> -> memref<1x6x128xi32, #tpu.memory_space<hbm>>
      %dma_wait3A_137 = tpu.memref_squeeze %dma_wait3A_136 : memref<1x6x128xi32, #tpu.memory_space<hbm>> -> memref<6x128xi32, #tpu.memory_space<hbm>>
      %dma_wait3A_138 = arith.constant 0 : i32
      %dma_wait3A_139 = arith.constant 0 : i32
      %dma_wait3A_140 = tpu.memref_slice %arg3[%add3A, %dma_wait3A_138, %dma_wait3A_139] : memref<32x6x128xi32, #tpu.memory_space<hbm>> -> memref<1x6x128xi32, #tpu.memory_space<hbm>>
      %dma_wait3A_141 = tpu.memref_squeeze %dma_wait3A_140 : memref<1x6x128xi32, #tpu.memory_space<hbm>> -> memref<6x128xi32, #tpu.memory_space<hbm>>
      tpu.wait_dma2 semaphore(%run_scoped3A : memref<!tpu.dma_semaphore, #tpu.memory_space<semaphore_mem>>) src(%dma_wait3A_141 : memref<6x128xi32, #tpu.memory_space<hbm>>) dst(%arg6 : memref<6x128xi32, #tpu.memory_space<vmem>>)
      tpu.yield
    }) : () -> ()
    "tpu.region"() ({
      %run_scoped3A = tpu.sem_alloc : memref<!tpu.dma_semaphore, #tpu.memory_space<semaphore_mem>>
      %dma_start3A_126 = arith.constant 0 : i32
      %dma_start3A_127 = arith.constant 0 : i32
      %dma_start3A_128 = tpu.memref_slice %arg4[%add3A, %dma_start3A_126, %dma_start3A_127] : memref<32x768x16xf32, #tpu.memory_space<hbm>> -> memref<1x768x16xf32, #tpu.memory_space<hbm>>
      %dma_start3A_129 = tpu.memref_squeeze %dma_start3A_128 : memref<1x768x16xf32, #tpu.memory_space<hbm>> -> memref<768x16xf32, #tpu.memory_space<hbm>>
      %dma_start3A_130 = arith.constant 0 : i32
      %dma_start3A_131 = arith.constant 0 : i32
      %dma_start3A_132 = tpu.memref_slice %arg4[%add3A, %dma_start3A_130, %dma_start3A_131] : memref<32x768x16xf32, #tpu.memory_space<hbm>> -> memref<1x768x16xf32, #tpu.memory_space<hbm>>
      %dma_start3A_133 = tpu.memref_squeeze %dma_start3A_132 : memref<1x768x16xf32, #tpu.memory_space<hbm>> -> memref<768x16xf32, #tpu.memory_space<hbm>>
      tpu.enqueue_dma source(%dma_start3A_133 : memref<768x16xf32, #tpu.memory_space<hbm>>) target(%arg7 : memref<768x16xf32, #tpu.memory_space<vmem>>) target_semaphore(%run_scoped3A : memref<!tpu.dma_semaphore, #tpu.memory_space<semaphore_mem>>)
      %dma_wait3A_134 = arith.constant 0 : i32
      %dma_wait3A_135 = arith.constant 0 : i32
      %dma_wait3A_136 = tpu.memref_slice %arg4[%add3A, %dma_wait3A_134, %dma_wait3A_135] : memref<32x768x16xf32, #tpu.memory_space<hbm>> -> memref<1x768x16xf32, #tpu.memory_space<hbm>>
      %dma_wait3A_137 = tpu.memref_squeeze %dma_wait3A_136 : memref<1x768x16xf32, #tpu.memory_space<hbm>> -> memref<768x16xf32, #tpu.memory_space<hbm>>
      %dma_wait3A_138 = arith.constant 0 : i32
      %dma_wait3A_139 = arith.constant 0 : i32
      %dma_wait3A_140 = tpu.memref_slice %arg4[%add3A, %dma_wait3A_138, %dma_wait3A_139] : memref<32x768x16xf32, #tpu.memory_space<hbm>> -> memref<1x768x16xf32, #tpu.memory_space<hbm>>
      %dma_wait3A_141 = tpu.memref_squeeze %dma_wait3A_140 : memref<1x768x16xf32, #tpu.memory_space<hbm>> -> memref<768x16xf32, #tpu.memory_space<hbm>>
      tpu.wait_dma2 semaphore(%run_scoped3A : memref<!tpu.dma_semaphore, #tpu.memory_space<semaphore_mem>>) src(%dma_wait3A_141 : memref<768x16xf32, #tpu.memory_space<hbm>>) dst(%arg7 : memref<768x16xf32, #tpu.memory_space<vmem>>)
      tpu.yield
    }) : () -> ()
    %dma_start3A = arith.constant 0 : i32
    %dma_start3A_1 = arith.constant 0 : i32
    %dma_start3A_2 = arith.constant 0 : i32
    %dma_start3A_3 = tpu.memref_slice %arg8[%dma_start3A_1, %dma_start3A_2] : memref<768x64xf32, #tpu.memory_space<vmem>> -> memref<128x64xf32, #tpu.memory_space<vmem>>
    %dma_start3A_4 = arith.constant 0 : i32
    %dma_start3A_5 = tpu.memref_slice %arg6[%dma_start3A, %dma_start3A_4] : memref<6x128xi32, #tpu.memory_space<vmem>> -> memref<1x128xi32, #tpu.memory_space<vmem>>
    %dma_start3A_6 = tpu.memref_squeeze %dma_start3A_5 : memref<1x128xi32, #tpu.memory_space<vmem>> -> memref<128xi32, #tpu.memory_space<vmem>>
    %dma_start3A_7 = arith.constant 0 : i32
    %dma_start3A_8 = arith.constant 0 : i32
    %dma_start3A_9 = tpu.memref_slice %arg2[%dma_start3A_7, %dma_start3A_8] : memref<100000x64xf32, #tpu.memory_space<hbm>> -> memref<100000x64xf32, #tpu.memory_space<hbm>>
    tpu.enqueue_indirect_dma source(%dma_start3A_9 : memref<100000x64xf32, #tpu.memory_space<hbm>>) target(%dma_start3A_3 : memref<128x64xf32, #tpu.memory_space<vmem>>) offsets(%dma_start3A_6 : memref<128xi32, #tpu.memory_space<vmem>>) semaphore(%arg10 : memref<!tpu.dma_semaphore, #tpu.memory_space<semaphore_mem>>)
    %dma_start3A_10 = arith.constant 1 : i32
    %dma_start3A_11 = arith.constant 128 : i32
    %dma_start3A_12 = arith.constant 0 : i32
    %dma_start3A_13 = tpu.memref_slice %arg8[%dma_start3A_11, %dma_start3A_12] : memref<768x64xf32, #tpu.memory_space<vmem>> -> memref<128x64xf32, #tpu.memory_space<vmem>>
    %dma_start3A_14 = arith.constant 0 : i32
    %dma_start3A_15 = tpu.memref_slice %arg6[%dma_start3A_10, %dma_start3A_14] : memref<6x128xi32, #tpu.memory_space<vmem>> -> memref<1x128xi32, #tpu.memory_space<vmem>>
    %dma_start3A_16 = tpu.memref_squeeze %dma_start3A_15 : memref<1x128xi32, #tpu.memory_space<vmem>> -> memref<128xi32, #tpu.memory_space<vmem>>
    %dma_start3A_17 = arith.constant 0 : i32
    %dma_start3A_18 = arith.constant 0 : i32
    %dma_start3A_19 = tpu.memref_slice %arg2[%dma_start3A_17, %dma_start3A_18] : memref<100000x64xf32, #tpu.memory_space<hbm>> -> memref<100000x64xf32, #tpu.memory_space<hbm>>
    tpu.enqueue_indirect_dma source(%dma_start3A_19 : memref<100000x64xf32, #tpu.memory_space<hbm>>) target(%dma_start3A_13 : memref<128x64xf32, #tpu.memory_space<vmem>>) offsets(%dma_start3A_16 : memref<128xi32, #tpu.memory_space<vmem>>) semaphore(%arg10 : memref<!tpu.dma_semaphore, #tpu.memory_space<semaphore_mem>>)
    %dma_start3A_20 = arith.constant 2 : i32
    %dma_start3A_21 = arith.constant 256 : i32
    %dma_start3A_22 = arith.constant 0 : i32
    %dma_start3A_23 = tpu.memref_slice %arg8[%dma_start3A_21, %dma_start3A_22] : memref<768x64xf32, #tpu.memory_space<vmem>> -> memref<128x64xf32, #tpu.memory_space<vmem>>
    %dma_start3A_24 = arith.constant 0 : i32
    %dma_start3A_25 = tpu.memref_slice %arg6[%dma_start3A_20, %dma_start3A_24] : memref<6x128xi32, #tpu.memory_space<vmem>> -> memref<1x128xi32, #tpu.memory_space<vmem>>
    %dma_start3A_26 = tpu.memref_squeeze %dma_start3A_25 : memref<1x128xi32, #tpu.memory_space<vmem>> -> memref<128xi32, #tpu.memory_space<vmem>>
    %dma_start3A_27 = arith.constant 0 : i32
    %dma_start3A_28 = arith.constant 0 : i32
    %dma_start3A_29 = tpu.memref_slice %arg2[%dma_start3A_27, %dma_start3A_28] : memref<100000x64xf32, #tpu.memory_space<hbm>> -> memref<100000x64xf32, #tpu.memory_space<hbm>>
    tpu.enqueue_indirect_dma source(%dma_start3A_29 : memref<100000x64xf32, #tpu.memory_space<hbm>>) target(%dma_start3A_23 : memref<128x64xf32, #tpu.memory_space<vmem>>) offsets(%dma_start3A_26 : memref<128xi32, #tpu.memory_space<vmem>>) semaphore(%arg10 : memref<!tpu.dma_semaphore, #tpu.memory_space<semaphore_mem>>)
    %dma_start3A_30 = arith.constant 3 : i32
    %dma_start3A_31 = arith.constant 384 : i32
    %dma_start3A_32 = arith.constant 0 : i32
    %dma_start3A_33 = tpu.memref_slice %arg8[%dma_start3A_31, %dma_start3A_32] : memref<768x64xf32, #tpu.memory_space<vmem>> -> memref<128x64xf32, #tpu.memory_space<vmem>>
    %dma_start3A_34 = arith.constant 0 : i32
    %dma_start3A_35 = tpu.memref_slice %arg6[%dma_start3A_30, %dma_start3A_34] : memref<6x128xi32, #tpu.memory_space<vmem>> -> memref<1x128xi32, #tpu.memory_space<vmem>>
    %dma_start3A_36 = tpu.memref_squeeze %dma_start3A_35 : memref<1x128xi32, #tpu.memory_space<vmem>> -> memref<128xi32, #tpu.memory_space<vmem>>
    %dma_start3A_37 = arith.constant 0 : i32
    %dma_start3A_38 = arith.constant 0 : i32
    %dma_start3A_39 = tpu.memref_slice %arg2[%dma_start3A_37, %dma_start3A_38] : memref<100000x64xf32, #tpu.memory_space<hbm>> -> memref<100000x64xf32, #tpu.memory_space<hbm>>
    tpu.enqueue_indirect_dma source(%dma_start3A_39 : memref<100000x64xf32, #tpu.memory_space<hbm>>) target(%dma_start3A_33 : memref<128x64xf32, #tpu.memory_space<vmem>>) offsets(%dma_start3A_36 : memref<128xi32, #tpu.memory_space<vmem>>) semaphore(%arg10 : memref<!tpu.dma_semaphore, #tpu.memory_space<semaphore_mem>>)
    %dma_start3A_40 = arith.constant 4 : i32
    %dma_start3A_41 = arith.constant 512 : i32
    %dma_start3A_42 = arith.constant 0 : i32
    %dma_start3A_43 = tpu.memref_slice %arg8[%dma_start3A_41, %dma_start3A_42] : memref<768x64xf32, #tpu.memory_space<vmem>> -> memref<128x64xf32, #tpu.memory_space<vmem>>
    %dma_start3A_44 = arith.constant 0 : i32
    %dma_start3A_45 = tpu.memref_slice %arg6[%dma_start3A_40, %dma_start3A_44] : memref<6x128xi32, #tpu.memory_space<vmem>> -> memref<1x128xi32, #tpu.memory_space<vmem>>
    %dma_start3A_46 = tpu.memref_squeeze %dma_start3A_45 : memref<1x128xi32, #tpu.memory_space<vmem>> -> memref<128xi32, #tpu.memory_space<vmem>>
    %dma_start3A_47 = arith.constant 0 : i32
    %dma_start3A_48 = arith.constant 0 : i32
    %dma_start3A_49 = tpu.memref_slice %arg2[%dma_start3A_47, %dma_start3A_48] : memref<100000x64xf32, #tpu.memory_space<hbm>> -> memref<100000x64xf32, #tpu.memory_space<hbm>>
    tpu.enqueue_indirect_dma source(%dma_start3A_49 : memref<100000x64xf32, #tpu.memory_space<hbm>>) target(%dma_start3A_43 : memref<128x64xf32, #tpu.memory_space<vmem>>) offsets(%dma_start3A_46 : memref<128xi32, #tpu.memory_space<vmem>>) semaphore(%arg10 : memref<!tpu.dma_semaphore, #tpu.memory_space<semaphore_mem>>)
    %dma_start3A_50 = arith.constant 5 : i32
    %dma_start3A_51 = arith.constant 640 : i32
    %dma_start3A_52 = arith.constant 0 : i32
    %dma_start3A_53 = tpu.memref_slice %arg8[%dma_start3A_51, %dma_start3A_52] : memref<768x64xf32, #tpu.memory_space<vmem>> -> memref<128x64xf32, #tpu.memory_space<vmem>>
    %dma_start3A_54 = arith.constant 0 : i32
    %dma_start3A_55 = tpu.memref_slice %arg6[%dma_start3A_50, %dma_start3A_54] : memref<6x128xi32, #tpu.memory_space<vmem>> -> memref<1x128xi32, #tpu.memory_space<vmem>>
    %dma_start3A_56 = tpu.memref_squeeze %dma_start3A_55 : memref<1x128xi32, #tpu.memory_space<vmem>> -> memref<128xi32, #tpu.memory_space<vmem>>
    %dma_start3A_57 = arith.constant 0 : i32
    %dma_start3A_58 = arith.constant 0 : i32
    %dma_start3A_59 = tpu.memref_slice %arg2[%dma_start3A_57, %dma_start3A_58] : memref<100000x64xf32, #tpu.memory_space<hbm>> -> memref<100000x64xf32, #tpu.memory_space<hbm>>
    tpu.enqueue_indirect_dma source(%dma_start3A_59 : memref<100000x64xf32, #tpu.memory_space<hbm>>) target(%dma_start3A_53 : memref<128x64xf32, #tpu.memory_space<vmem>>) offsets(%dma_start3A_56 : memref<128xi32, #tpu.memory_space<vmem>>) semaphore(%arg10 : memref<!tpu.dma_semaphore, #tpu.memory_space<semaphore_mem>>)
    %dma_wait3A = arith.constant 0 : i32
    %dma_wait3A_60 = arith.constant 0 : i32
    %dma_wait3A_61 = arith.constant 0 : i32
    %dma_wait3A_62 = tpu.memref_slice %arg8[%dma_wait3A_60, %dma_wait3A_61] : memref<768x64xf32, #tpu.memory_space<vmem>> -> memref<128x64xf32, #tpu.memory_space<vmem>>
    %dma_wait3A_63 = arith.constant 0 : i32
    %dma_wait3A_64 = tpu.memref_slice %arg6[%dma_wait3A, %dma_wait3A_63] : memref<6x128xi32, #tpu.memory_space<vmem>> -> memref<1x128xi32, #tpu.memory_space<vmem>>
    %dma_wait3A_65 = tpu.memref_squeeze %dma_wait3A_64 : memref<1x128xi32, #tpu.memory_space<vmem>> -> memref<128xi32, #tpu.memory_space<vmem>>
    %dma_wait3A_66 = arith.constant 0 : i32
    %dma_wait3A_67 = arith.constant 0 : i32
    %dma_wait3A_68 = tpu.memref_slice %arg2[%dma_wait3A_66, %dma_wait3A_67] : memref<100000x64xf32, #tpu.memory_space<hbm>> -> memref<100000x64xf32, #tpu.memory_space<hbm>>
    tpu.wait_indirect_dma semaphore(%arg10 : memref<!tpu.dma_semaphore, #tpu.memory_space<semaphore_mem>>) src(%dma_wait3A_68 : memref<100000x64xf32, #tpu.memory_space<hbm>>) dst(%dma_wait3A_62 : memref<128x64xf32, #tpu.memory_space<vmem>>)
    %dma_wait3A_69 = arith.constant 1 : i32
    %dma_wait3A_70 = arith.constant 128 : i32
    %dma_wait3A_71 = arith.constant 0 : i32
    %dma_wait3A_72 = tpu.memref_slice %arg8[%dma_wait3A_70, %dma_wait3A_71] : memref<768x64xf32, #tpu.memory_space<vmem>> -> memref<128x64xf32, #tpu.memory_space<vmem>>
    %dma_wait3A_73 = arith.constant 0 : i32
    %dma_wait3A_74 = tpu.memref_slice %arg6[%dma_wait3A_69, %dma_wait3A_73] : memref<6x128xi32, #tpu.memory_space<vmem>> -> memref<1x128xi32, #tpu.memory_space<vmem>>
    %dma_wait3A_75 = tpu.memref_squeeze %dma_wait3A_74 : memref<1x128xi32, #tpu.memory_space<vmem>> -> memref<128xi32, #tpu.memory_space<vmem>>
    %dma_wait3A_76 = arith.constant 0 : i32
    %dma_wait3A_77 = arith.constant 0 : i32
    %dma_wait3A_78 = tpu.memref_slice %arg2[%dma_wait3A_76, %dma_wait3A_77] : memref<100000x64xf32, #tpu.memory_space<hbm>> -> memref<100000x64xf32, #tpu.memory_space<hbm>>
    tpu.wait_indirect_dma semaphore(%arg10 : memref<!tpu.dma_semaphore, #tpu.memory_space<semaphore_mem>>) src(%dma_wait3A_78 : memref<100000x64xf32, #tpu.memory_space<hbm>>) dst(%dma_wait3A_72 : memref<128x64xf32, #tpu.memory_space<vmem>>)
    %dma_wait3A_79 = arith.constant 2 : i32
    %dma_wait3A_80 = arith.constant 256 : i32
    %dma_wait3A_81 = arith.constant 0 : i32
    %dma_wait3A_82 = tpu.memref_slice %arg8[%dma_wait3A_80, %dma_wait3A_81] : memref<768x64xf32, #tpu.memory_space<vmem>> -> memref<128x64xf32, #tpu.memory_space<vmem>>
    %dma_wait3A_83 = arith.constant 0 : i32
    %dma_wait3A_84 = tpu.memref_slice %arg6[%dma_wait3A_79, %dma_wait3A_83] : memref<6x128xi32, #tpu.memory_space<vmem>> -> memref<1x128xi32, #tpu.memory_space<vmem>>
    %dma_wait3A_85 = tpu.memref_squeeze %dma_wait3A_84 : memref<1x128xi32, #tpu.memory_space<vmem>> -> memref<128xi32, #tpu.memory_space<vmem>>
    %dma_wait3A_86 = arith.constant 0 : i32
    %dma_wait3A_87 = arith.constant 0 : i32
    %dma_wait3A_88 = tpu.memref_slice %arg2[%dma_wait3A_86, %dma_wait3A_87] : memref<100000x64xf32, #tpu.memory_space<hbm>> -> memref<100000x64xf32, #tpu.memory_space<hbm>>
    tpu.wait_indirect_dma semaphore(%arg10 : memref<!tpu.dma_semaphore, #tpu.memory_space<semaphore_mem>>) src(%dma_wait3A_88 : memref<100000x64xf32, #tpu.memory_space<hbm>>) dst(%dma_wait3A_82 : memref<128x64xf32, #tpu.memory_space<vmem>>)
    %dma_wait3A_89 = arith.constant 3 : i32
    %dma_wait3A_90 = arith.constant 384 : i32
    %dma_wait3A_91 = arith.constant 0 : i32
    %dma_wait3A_92 = tpu.memref_slice %arg8[%dma_wait3A_90, %dma_wait3A_91] : memref<768x64xf32, #tpu.memory_space<vmem>> -> memref<128x64xf32, #tpu.memory_space<vmem>>
    %dma_wait3A_93 = arith.constant 0 : i32
    %dma_wait3A_94 = tpu.memref_slice %arg6[%dma_wait3A_89, %dma_wait3A_93] : memref<6x128xi32, #tpu.memory_space<vmem>> -> memref<1x128xi32, #tpu.memory_space<vmem>>
    %dma_wait3A_95 = tpu.memref_squeeze %dma_wait3A_94 : memref<1x128xi32, #tpu.memory_space<vmem>> -> memref<128xi32, #tpu.memory_space<vmem>>
    %dma_wait3A_96 = arith.constant 0 : i32
    %dma_wait3A_97 = arith.constant 0 : i32
    %dma_wait3A_98 = tpu.memref_slice %arg2[%dma_wait3A_96, %dma_wait3A_97] : memref<100000x64xf32, #tpu.memory_space<hbm>> -> memref<100000x64xf32, #tpu.memory_space<hbm>>
    tpu.wait_indirect_dma semaphore(%arg10 : memref<!tpu.dma_semaphore, #tpu.memory_space<semaphore_mem>>) src(%dma_wait3A_98 : memref<100000x64xf32, #tpu.memory_space<hbm>>) dst(%dma_wait3A_92 : memref<128x64xf32, #tpu.memory_space<vmem>>)
    %dma_wait3A_99 = arith.constant 4 : i32
    %dma_wait3A_100 = arith.constant 512 : i32
    %dma_wait3A_101 = arith.constant 0 : i32
    %dma_wait3A_102 = tpu.memref_slice %arg8[%dma_wait3A_100, %dma_wait3A_101] : memref<768x64xf32, #tpu.memory_space<vmem>> -> memref<128x64xf32, #tpu.memory_space<vmem>>
    %dma_wait3A_103 = arith.constant 0 : i32
    %dma_wait3A_104 = tpu.memref_slice %arg6[%dma_wait3A_99, %dma_wait3A_103] : memref<6x128xi32, #tpu.memory_space<vmem>> -> memref<1x128xi32, #tpu.memory_space<vmem>>
    %dma_wait3A_105 = tpu.memref_squeeze %dma_wait3A_104 : memref<1x128xi32, #tpu.memory_space<vmem>> -> memref<128xi32, #tpu.memory_space<vmem>>
    %dma_wait3A_106 = arith.constant 0 : i32
    %dma_wait3A_107 = arith.constant 0 : i32
    %dma_wait3A_108 = tpu.memref_slice %arg2[%dma_wait3A_106, %dma_wait3A_107] : memref<100000x64xf32, #tpu.memory_space<hbm>> -> memref<100000x64xf32, #tpu.memory_space<hbm>>
    tpu.wait_indirect_dma semaphore(%arg10 : memref<!tpu.dma_semaphore, #tpu.memory_space<semaphore_mem>>) src(%dma_wait3A_108 : memref<100000x64xf32, #tpu.memory_space<hbm>>) dst(%dma_wait3A_102 : memref<128x64xf32, #tpu.memory_space<vmem>>)
    %dma_wait3A_109 = arith.constant 5 : i32
    %dma_wait3A_110 = arith.constant 640 : i32
    %dma_wait3A_111 = arith.constant 0 : i32
    %dma_wait3A_112 = tpu.memref_slice %arg8[%dma_wait3A_110, %dma_wait3A_111] : memref<768x64xf32, #tpu.memory_space<vmem>> -> memref<128x64xf32, #tpu.memory_space<vmem>>
    %dma_wait3A_113 = arith.constant 0 : i32
    %dma_wait3A_114 = tpu.memref_slice %arg6[%dma_wait3A_109, %dma_wait3A_113] : memref<6x128xi32, #tpu.memory_space<vmem>> -> memref<1x128xi32, #tpu.memory_space<vmem>>
    %dma_wait3A_115 = tpu.memref_squeeze %dma_wait3A_114 : memref<1x128xi32, #tpu.memory_space<vmem>> -> memref<128xi32, #tpu.memory_space<vmem>>
    %dma_wait3A_116 = arith.constant 0 : i32
    %dma_wait3A_117 = arith.constant 0 : i32
    %dma_wait3A_118 = tpu.memref_slice %arg2[%dma_wait3A_116, %dma_wait3A_117] : memref<100000x64xf32, #tpu.memory_space<hbm>> -> memref<100000x64xf32, #tpu.memory_space<hbm>>
    tpu.wait_indirect_dma semaphore(%arg10 : memref<!tpu.dma_semaphore, #tpu.memory_space<semaphore_mem>>) src(%dma_wait3A_118 : memref<100000x64xf32, #tpu.memory_space<hbm>>) dst(%dma_wait3A_112 : memref<128x64xf32, #tpu.memory_space<vmem>>)
    %scan3A = arith.constant 0 : i32
    %scan3A_119 = arith.constant 0 : i32
    %scan3A_120 = arith.constant 128 : i32
    %scan3A_121 = arith.addi %scan3A_119, %scan3A_120 : i32
    %scan3A_122 = arith.constant 1 : i32
    scf.for %scan3A_126 = %scan3A_119 to %scan3A_121 step %scan3A_122  : i32 {
      %mul3A_127 = arith.constant 6 : i32
      %mul3A_128 = arith.muli %scan3A_126, %mul3A_127 : i32
      %add3A_129 = arith.constant 0 : i32
      %add3A_130 = arith.addi %mul3A_128, %add3A_129 : i32
      %get3A = arith.index_cast %add3A_130 : i32 to index
      %get3A_131 = arith.constant 0 : index
      %get3A_132 = tpu.vector_load %arg7[%get3A, %get3A_131] {strides = array<i32>} : memref<768x16xf32, #tpu.memory_space<vmem>>, vector<1x16xf32>,
      %get3A_133 = vector.shape_cast %get3A_132 : vector<1x16xf32> to vector<16xf32>
      %mul3A_134 = arith.constant 6 : i32
      %mul3A_135 = arith.muli %scan3A_126, %mul3A_134 : i32
      %add3A_136 = arith.constant 1 : i32
      %add3A_137 = arith.addi %mul3A_135, %add3A_136 : i32
      %get3A_138 = arith.index_cast %add3A_137 : i32 to index
      %get3A_139 = arith.constant 0 : index
      %get3A_140 = tpu.vector_load %arg7[%get3A_138, %get3A_139] {strides = array<i32>} : memref<768x16xf32, #tpu.memory_space<vmem>>, vector<1x16xf32>,
      %get3A_141 = vector.shape_cast %get3A_140 : vector<1x16xf32> to vector<16xf32>
      %mul3A_142 = arith.constant 6 : i32
      %mul3A_143 = arith.muli %scan3A_126, %mul3A_142 : i32
      %add3A_144 = arith.constant 2 : i32
      %add3A_145 = arith.addi %mul3A_143, %add3A_144 : i32
      %get3A_146 = arith.index_cast %add3A_145 : i32 to index
      %get3A_147 = arith.constant 0 : index
      %get3A_148 = tpu.vector_load %arg7[%get3A_146, %get3A_147] {strides = array<i32>} : memref<768x16xf32, #tpu.memory_space<vmem>>, vector<1x16xf32>,
      %get3A_149 = vector.shape_cast %get3A_148 : vector<1x16xf32> to vector<16xf32>
      %mul3A_150 = arith.constant 6 : i32
      %mul3A_151 = arith.muli %scan3A_126, %mul3A_150 : i32
      %add3A_152 = arith.constant 3 : i32
      %add3A_153 = arith.addi %mul3A_151, %add3A_152 : i32
      %get3A_154 = arith.index_cast %add3A_153 : i32 to index
      %get3A_155 = arith.constant 0 : index
      %get3A_156 = tpu.vector_load %arg7[%get3A_154, %get3A_155] {strides = array<i32>} : memref<768x16xf32, #tpu.memory_space<vmem>>, vector<1x16xf32>,
      %get3A_157 = vector.shape_cast %get3A_156 : vector<1x16xf32> to vector<16xf32>
      %mul3A_158 = arith.constant 6 : i32
      %mul3A_159 = arith.muli %scan3A_126, %mul3A_158 : i32
      %add3A_160 = arith.constant 4 : i32
      %add3A_161 = arith.addi %mul3A_159, %add3A_160 : i32
      %get3A_162 = arith.index_cast %add3A_161 : i32 to index
      %get3A_163 = arith.constant 0 : index
      %get3A_164 = tpu.vector_load %arg7[%get3A_162, %get3A_163] {strides = array<i32>} : memref<768x16xf32, #tpu.memory_space<vmem>>, vector<1x16xf32>,
      %get3A_165 = vector.shape_cast %get3A_164 : vector<1x16xf32> to vector<16xf32>
      %mul3A_166 = arith.constant 6 : i32
      %mul3A_167 = arith.muli %scan3A_126, %mul3A_166 : i32
      %add3A_168 = arith.constant 5 : i32
      %add3A_169 = arith.addi %mul3A_167, %add3A_168 : i32
      %get3A_170 = arith.index_cast %add3A_169 : i32 to index
      %get3A_171 = arith.constant 0 : index
      %get3A_172 = tpu.vector_load %arg7[%get3A_170, %get3A_171] {strides = array<i32>} : memref<768x16xf32, #tpu.memory_space<vmem>>, vector<1x16xf32>,
      %get3A_173 = vector.shape_cast %get3A_172 : vector<1x16xf32> to vector<16xf32>
      %mul3A_174 = arith.constant 6 : i32
      %mul3A_175 = arith.muli %scan3A_126, %mul3A_174 : i32
      %get3A_176 = arith.index_cast %mul3A_175 : i32 to index
      %get3A_177 = arith.constant 0 : index
      %get3A_178 = tpu.vector_load %arg8[%get3A_176, %get3A_177] {strides = array<i32>} : memref<768x64xf32, #tpu.memory_space<vmem>>, vector<1x16xf32>,
      %get3A_179 = vector.shape_cast %get3A_178 : vector<1x16xf32> to vector<16xf32>
      %mul3A_180 = arith.mulf %get3A_133, %get3A_179 : vector<16xf32>
      %mul3A_181 = arith.constant 6 : i32
      %mul3A_182 = arith.muli %scan3A_126, %mul3A_181 : i32
      %add3A_183 = arith.constant 1 : i32
      %add3A_184 = arith.addi %mul3A_182, %add3A_183 : i32
      %get3A_185 = arith.index_cast %add3A_184 : i32 to index
      %get3A_186 = arith.constant 0 : index
      %get3A_187 = tpu.vector_load %arg8[%get3A_185, %get3A_186] {strides = array<i32>} : memref<768x64xf32, #tpu.memory_space<vmem>>, vector<1x16xf32>,
      %get3A_188 = vector.shape_cast %get3A_187 : vector<1x16xf32> to vector<16xf32>
      %mul3A_189 = arith.mulf %get3A_141, %get3A_188 : vector<16xf32>
      %add3A_190 = arith.addf %mul3A_180, %mul3A_189 : vector<16xf32>
      %mul3A_191 = arith.constant 6 : i32
      %mul3A_192 = arith.muli %scan3A_126, %mul3A_191 : i32
      %add3A_193 = arith.constant 2 : i32
      %add3A_194 = arith.addi %mul3A_192, %add3A_193 : i32
      %get3A_195 = arith.index_cast %add3A_194 : i32 to index
      %get3A_196 = arith.constant 0 : index
      %get3A_197 = tpu.vector_load %arg8[%get3A_195, %get3A_196] {strides = array<i32>} : memref<768x64xf32, #tpu.memory_space<vmem>>, vector<1x16xf32>,
      %get3A_198 = vector.shape_cast %get3A_197 : vector<1x16xf32> to vector<16xf32>
      %mul3A_199 = arith.mulf %get3A_149, %get3A_198 : vector<16xf32>
      %add3A_200 = arith.addf %add3A_190, %mul3A_199 : vector<16xf32>
      %mul3A_201 = arith.constant 6 : i32
      %mul3A_202 = arith.muli %scan3A_126, %mul3A_201 : i32
      %add3A_203 = arith.constant 3 : i32
      %add3A_204 = arith.addi %mul3A_202, %add3A_203 : i32
      %get3A_205 = arith.index_cast %add3A_204 : i32 to index
      %get3A_206 = arith.constant 0 : index
      %get3A_207 = tpu.vector_load %arg8[%get3A_205, %get3A_206] {strides = array<i32>} : memref<768x64xf32, #tpu.memory_space<vmem>>, vector<1x16xf32>,
      %get3A_208 = vector.shape_cast %get3A_207 : vector<1x16xf32> to vector<16xf32>
      %mul3A_209 = arith.mulf %get3A_157, %get3A_208 : vector<16xf32>
      %add3A_210 = arith.addf %add3A_200, %mul3A_209 : vector<16xf32>
      %mul3A_211 = arith.constant 6 : i32
      %mul3A_212 = arith.muli %scan3A_126, %mul3A_211 : i32
      %add3A_213 = arith.constant 4 : i32
      %add3A_214 = arith.addi %mul3A_212, %add3A_213 : i32
      %get3A_215 = arith.index_cast %add3A_214 : i32 to index
      %get3A_216 = arith.constant 0 : index
      %get3A_217 = tpu.vector_load %arg8[%get3A_215, %get3A_216] {strides = array<i32>} : memref<768x64xf32, #tpu.memory_space<vmem>>, vector<1x16xf32>,
      %get3A_218 = vector.shape_cast %get3A_217 : vector<1x16xf32> to vector<16xf32>
      %mul3A_219 = arith.mulf %get3A_165, %get3A_218 : vector<16xf32>
      %add3A_220 = arith.addf %add3A_210, %mul3A_219 : vector<16xf32>
      %mul3A_221 = arith.constant 6 : i32
      %mul3A_222 = arith.muli %scan3A_126, %mul3A_221 : i32
      %add3A_223 = arith.constant 5 : i32
      %add3A_224 = arith.addi %mul3A_222, %add3A_223 : i32
      %get3A_225 = arith.index_cast %add3A_224 : i32 to index
      %get3A_226 = arith.constant 0 : index
      %get3A_227 = tpu.vector_load %arg8[%get3A_225, %get3A_226] {strides = array<i32>} : memref<768x64xf32, #tpu.memory_space<vmem>>, vector<1x16xf32>,
      %get3A_228 = vector.shape_cast %get3A_227 : vector<1x16xf32> to vector<16xf32>
      %mul3A_229 = arith.mulf %get3A_173, %get3A_228 : vector<16xf32>
      %add3A_230 = arith.addf %add3A_220, %mul3A_229 : vector<16xf32>
      %swap3A = arith.index_cast %scan3A_126 : i32 to index
      %swap3A_231 = arith.constant 0 : index
      %swap3A_232 = tpu.vector_load %arg9[%swap3A, %swap3A_231] {strides = array<i32>} : memref<128x64xf32, #tpu.memory_space<vmem>>, vector<1x16xf32>,
      %swap3A_233 = vector.shape_cast %swap3A_232 : vector<1x16xf32> to vector<16xf32>
      %swap3A_234 = vector.shape_cast %add3A_230 : vector<16xf32> to vector<1x16xf32>
      tpu.vector_store %arg9[%swap3A, %swap3A_231], %swap3A_234 {strides = array<i32>} : memref<128x64xf32, #tpu.memory_space<vmem>>, vector<1x16xf32>,
      %mul3A_235 = arith.constant 6 : i32
      %mul3A_236 = arith.muli %scan3A_126, %mul3A_235 : i32
      %get3A_237 = arith.index_cast %mul3A_236 : i32 to index
      %get3A_238 = arith.constant 16 : index
      %get3A_239 = tpu.vector_load %arg8[%get3A_237, %get3A_238] {strides = array<i32>} : memref<768x64xf32, #tpu.memory_space<vmem>>, vector<1x16xf32>,
      %get3A_240 = vector.shape_cast %get3A_239 : vector<1x16xf32> to vector<16xf32>
      %mul3A_241 = arith.mulf %get3A_133, %get3A_240 : vector<16xf32>
      %mul3A_242 = arith.constant 6 : i32
      %mul3A_243 = arith.muli %scan3A_126, %mul3A_242 : i32
      %add3A_244 = arith.constant 1 : i32
      %add3A_245 = arith.addi %mul3A_243, %add3A_244 : i32
      %get3A_246 = arith.index_cast %add3A_245 : i32 to index
      %get3A_247 = arith.constant 16 : index
      %get3A_248 = tpu.vector_load %arg8[%get3A_246, %get3A_247] {strides = array<i32>} : memref<768x64xf32, #tpu.memory_space<vmem>>, vector<1x16xf32>,
      %get3A_249 = vector.shape_cast %get3A_248 : vector<1x16xf32> to vector<16xf32>
      %mul3A_250 = arith.mulf %get3A_141, %get3A_249 : vector<16xf32>
      %add3A_251 = arith.addf %mul3A_241, %mul3A_250 : vector<16xf32>
      %mul3A_252 = arith.constant 6 : i32
      %mul3A_253 = arith.muli %scan3A_126, %mul3A_252 : i32
      %add3A_254 = arith.constant 2 : i32
      %add3A_255 = arith.addi %mul3A_253, %add3A_254 : i32
      %get3A_256 = arith.index_cast %add3A_255 : i32 to index
      %get3A_257 = arith.constant 16 : index
      %get3A_258 = tpu.vector_load %arg8[%get3A_256, %get3A_257] {strides = array<i32>} : memref<768x64xf32, #tpu.memory_space<vmem>>, vector<1x16xf32>,
      %get3A_259 = vector.shape_cast %get3A_258 : vector<1x16xf32> to vector<16xf32>
      %mul3A_260 = arith.mulf %get3A_149, %get3A_259 : vector<16xf32>
      %add3A_261 = arith.addf %add3A_251, %mul3A_260 : vector<16xf32>
      %mul3A_262 = arith.constant 6 : i32
      %mul3A_263 = arith.muli %scan3A_126, %mul3A_262 : i32
      %add3A_264 = arith.constant 3 : i32
      %add3A_265 = arith.addi %mul3A_263, %add3A_264 : i32
      %get3A_266 = arith.index_cast %add3A_265 : i32 to index
      %get3A_267 = arith.constant 16 : index
      %get3A_268 = tpu.vector_load %arg8[%get3A_266, %get3A_267] {strides = array<i32>} : memref<768x64xf32, #tpu.memory_space<vmem>>, vector<1x16xf32>,
      %get3A_269 = vector.shape_cast %get3A_268 : vector<1x16xf32> to vector<16xf32>
      %mul3A_270 = arith.mulf %get3A_157, %get3A_269 : vector<16xf32>
      %add3A_271 = arith.addf %add3A_261, %mul3A_270 : vector<16xf32>
      %mul3A_272 = arith.constant 6 : i32
      %mul3A_273 = arith.muli %scan3A_126, %mul3A_272 : i32
      %add3A_274 = arith.constant 4 : i32
      %add3A_275 = arith.addi %mul3A_273, %add3A_274 : i32
      %get3A_276 = arith.index_cast %add3A_275 : i32 to index
      %get3A_277 = arith.constant 16 : index
      %get3A_278 = tpu.vector_load %arg8[%get3A_276, %get3A_277] {strides = array<i32>} : memref<768x64xf32, #tpu.memory_space<vmem>>, vector<1x16xf32>,
      %get3A_279 = vector.shape_cast %get3A_278 : vector<1x16xf32> to vector<16xf32>
      %mul3A_280 = arith.mulf %get3A_165, %get3A_279 : vector<16xf32>
      %add3A_281 = arith.addf %add3A_271, %mul3A_280 : vector<16xf32>
      %mul3A_282 = arith.constant 6 : i32
      %mul3A_283 = arith.muli %scan3A_126, %mul3A_282 : i32
      %add3A_284 = arith.constant 5 : i32
      %add3A_285 = arith.addi %mul3A_283, %add3A_284 : i32
      %get3A_286 = arith.index_cast %add3A_285 : i32 to index
      %get3A_287 = arith.constant 16 : index
      %get3A_288 = tpu.vector_load %arg8[%get3A_286, %get3A_287] {strides = array<i32>} : memref<768x64xf32, #tpu.memory_space<vmem>>, vector<1x16xf32>,
      %get3A_289 = vector.shape_cast %get3A_288 : vector<1x16xf32> to vector<16xf32>
      %mul3A_290 = arith.mulf %get3A_173, %get3A_289 : vector<16xf32>
      %add3A_291 = arith.addf %add3A_281, %mul3A_290 : vector<16xf32>
      %swap3A_292 = arith.index_cast %scan3A_126 : i32 to index
      %swap3A_293 = arith.constant 16 : index
      %swap3A_294 = tpu.vector_load %arg9[%swap3A_292, %swap3A_293] {strides = array<i32>} : memref<128x64xf32, #tpu.memory_space<vmem>>, vector<1x16xf32>,
      %swap3A_295 = vector.shape_cast %swap3A_294 : vector<1x16xf32> to vector<16xf32>
      %swap3A_296 = vector.shape_cast %add3A_291 : vector<16xf32> to vector<1x16xf32>
      tpu.vector_store %arg9[%swap3A_292, %swap3A_293], %swap3A_296 {strides = array<i32>} : memref<128x64xf32, #tpu.memory_space<vmem>>, vector<1x16xf32>,
      %mul3A_297 = arith.constant 6 : i32
      %mul3A_298 = arith.muli %scan3A_126, %mul3A_297 : i32
      %get3A_299 = arith.index_cast %mul3A_298 : i32 to index
      %get3A_300 = arith.constant 32 : index
      %get3A_301 = tpu.vector_load %arg8[%get3A_299, %get3A_300] {strides = array<i32>} : memref<768x64xf32, #tpu.memory_space<vmem>>, vector<1x16xf32>,
      %get3A_302 = vector.shape_cast %get3A_301 : vector<1x16xf32> to vector<16xf32>
      %mul3A_303 = arith.mulf %get3A_133, %get3A_302 : vector<16xf32>
      %mul3A_304 = arith.constant 6 : i32
      %mul3A_305 = arith.muli %scan3A_126, %mul3A_304 : i32
      %add3A_306 = arith.constant 1 : i32
      %add3A_307 = arith.addi %mul3A_305, %add3A_306 : i32
      %get3A_308 = arith.index_cast %add3A_307 : i32 to index
      %get3A_309 = arith.constant 32 : index
      %get3A_310 = tpu.vector_load %arg8[%get3A_308, %get3A_309] {strides = array<i32>} : memref<768x64xf32, #tpu.memory_space<vmem>>, vector<1x16xf32>,
      %get3A_311 = vector.shape_cast %get3A_310 : vector<1x16xf32> to vector<16xf32>
      %mul3A_312 = arith.mulf %get3A_141, %get3A_311 : vector<16xf32>
      %add3A_313 = arith.addf %mul3A_303, %mul3A_312 : vector<16xf32>
      %mul3A_314 = arith.constant 6 : i32
      %mul3A_315 = arith.muli %scan3A_126, %mul3A_314 : i32
      %add3A_316 = arith.constant 2 : i32
      %add3A_317 = arith.addi %mul3A_315, %add3A_316 : i32
      %get3A_318 = arith.index_cast %add3A_317 : i32 to index
      %get3A_319 = arith.constant 32 : index
      %get3A_320 = tpu.vector_load %arg8[%get3A_318, %get3A_319] {strides = array<i32>} : memref<768x64xf32, #tpu.memory_space<vmem>>, vector<1x16xf32>,
      %get3A_321 = vector.shape_cast %get3A_320 : vector<1x16xf32> to vector<16xf32>
      %mul3A_322 = arith.mulf %get3A_149, %get3A_321 : vector<16xf32>
      %add3A_323 = arith.addf %add3A_313, %mul3A_322 : vector<16xf32>
      %mul3A_324 = arith.constant 6 : i32
      %mul3A_325 = arith.muli %scan3A_126, %mul3A_324 : i32
      %add3A_326 = arith.constant 3 : i32
      %add3A_327 = arith.addi %mul3A_325, %add3A_326 : i32
      %get3A_328 = arith.index_cast %add3A_327 : i32 to index
      %get3A_329 = arith.constant 32 : index
      %get3A_330 = tpu.vector_load %arg8[%get3A_328, %get3A_329] {strides = array<i32>} : memref<768x64xf32, #tpu.memory_space<vmem>>, vector<1x16xf32>,
      %get3A_331 = vector.shape_cast %get3A_330 : vector<1x16xf32> to vector<16xf32>
      %mul3A_332 = arith.mulf %get3A_157, %get3A_331 : vector<16xf32>
      %add3A_333 = arith.addf %add3A_323, %mul3A_332 : vector<16xf32>
      %mul3A_334 = arith.constant 6 : i32
      %mul3A_335 = arith.muli %scan3A_126, %mul3A_334 : i32
      %add3A_336 = arith.constant 4 : i32
      %add3A_337 = arith.addi %mul3A_335, %add3A_336 : i32
      %get3A_338 = arith.index_cast %add3A_337 : i32 to index
      %get3A_339 = arith.constant 32 : index
      %get3A_340 = tpu.vector_load %arg8[%get3A_338, %get3A_339] {strides = array<i32>} : memref<768x64xf32, #tpu.memory_space<vmem>>, vector<1x16xf32>,
      %get3A_341 = vector.shape_cast %get3A_340 : vector<1x16xf32> to vector<16xf32>
      %mul3A_342 = arith.mulf %get3A_165, %get3A_341 : vector<16xf32>
      %add3A_343 = arith.addf %add3A_333, %mul3A_342 : vector<16xf32>
      %mul3A_344 = arith.constant 6 : i32
      %mul3A_345 = arith.muli %scan3A_126, %mul3A_344 : i32
      %add3A_346 = arith.constant 5 : i32
      %add3A_347 = arith.addi %mul3A_345, %add3A_346 : i32
      %get3A_348 = arith.index_cast %add3A_347 : i32 to index
      %get3A_349 = arith.constant 32 : index
      %get3A_350 = tpu.vector_load %arg8[%get3A_348, %get3A_349] {strides = array<i32>} : memref<768x64xf32, #tpu.memory_space<vmem>>, vector<1x16xf32>,
      %get3A_351 = vector.shape_cast %get3A_350 : vector<1x16xf32> to vector<16xf32>
      %mul3A_352 = arith.mulf %get3A_173, %get3A_351 : vector<16xf32>
      %add3A_353 = arith.addf %add3A_343, %mul3A_352 : vector<16xf32>
      %swap3A_354 = arith.index_cast %scan3A_126 : i32 to index
      %swap3A_355 = arith.constant 32 : index
      %swap3A_356 = tpu.vector_load %arg9[%swap3A_354, %swap3A_355] {strides = array<i32>} : memref<128x64xf32, #tpu.memory_space<vmem>>, vector<1x16xf32>,
      %swap3A_357 = vector.shape_cast %swap3A_356 : vector<1x16xf32> to vector<16xf32>
      %swap3A_358 = vector.shape_cast %add3A_353 : vector<16xf32> to vector<1x16xf32>
      tpu.vector_store %arg9[%swap3A_354, %swap3A_355], %swap3A_358 {strides = array<i32>} : memref<128x64xf32, #tpu.memory_space<vmem>>, vector<1x16xf32>,
      %mul3A_359 = arith.constant 6 : i32
      %mul3A_360 = arith.muli %scan3A_126, %mul3A_359 : i32
      %get3A_361 = arith.index_cast %mul3A_360 : i32 to index
      %get3A_362 = arith.constant 48 : index
      %get3A_363 = tpu.vector_load %arg8[%get3A_361, %get3A_362] {strides = array<i32>} : memref<768x64xf32, #tpu.memory_space<vmem>>, vector<1x16xf32>,
      %get3A_364 = vector.shape_cast %get3A_363 : vector<1x16xf32> to vector<16xf32>
      %mul3A_365 = arith.mulf %get3A_133, %get3A_364 : vector<16xf32>
      %mul3A_366 = arith.constant 6 : i32
      %mul3A_367 = arith.muli %scan3A_126, %mul3A_366 : i32
      %add3A_368 = arith.constant 1 : i32
      %add3A_369 = arith.addi %mul3A_367, %add3A_368 : i32
      %get3A_370 = arith.index_cast %add3A_369 : i32 to index
      %get3A_371 = arith.constant 48 : index
      %get3A_372 = tpu.vector_load %arg8[%get3A_370, %get3A_371] {strides = array<i32>} : memref<768x64xf32, #tpu.memory_space<vmem>>, vector<1x16xf32>,
      %get3A_373 = vector.shape_cast %get3A_372 : vector<1x16xf32> to vector<16xf32>
      %mul3A_374 = arith.mulf %get3A_141, %get3A_373 : vector<16xf32>
      %add3A_375 = arith.addf %mul3A_365, %mul3A_374 : vector<16xf32>
      %mul3A_376 = arith.constant 6 : i32
      %mul3A_377 = arith.muli %scan3A_126, %mul3A_376 : i32
      %add3A_378 = arith.constant 2 : i32
      %add3A_379 = arith.addi %mul3A_377, %add3A_378 : i32
      %get3A_380 = arith.index_cast %add3A_379 : i32 to index
      %get3A_381 = arith.constant 48 : index
      %get3A_382 = tpu.vector_load %arg8[%get3A_380, %get3A_381] {strides = array<i32>} : memref<768x64xf32, #tpu.memory_space<vmem>>, vector<1x16xf32>,
      %get3A_383 = vector.shape_cast %get3A_382 : vector<1x16xf32> to vector<16xf32>
      %mul3A_384 = arith.mulf %get3A_149, %get3A_383 : vector<16xf32>
      %add3A_385 = arith.addf %add3A_375, %mul3A_384 : vector<16xf32>
      %mul3A_386 = arith.constant 6 : i32
      %mul3A_387 = arith.muli %scan3A_126, %mul3A_386 : i32
      %add3A_388 = arith.constant 3 : i32
      %add3A_389 = arith.addi %mul3A_387, %add3A_388 : i32
      %get3A_390 = arith.index_cast %add3A_389 : i32 to index
      %get3A_391 = arith.constant 48 : index
      %get3A_392 = tpu.vector_load %arg8[%get3A_390, %get3A_391] {strides = array<i32>} : memref<768x64xf32, #tpu.memory_space<vmem>>, vector<1x16xf32>,
      %get3A_393 = vector.shape_cast %get3A_392 : vector<1x16xf32> to vector<16xf32>
      %mul3A_394 = arith.mulf %get3A_157, %get3A_393 : vector<16xf32>
      %add3A_395 = arith.addf %add3A_385, %mul3A_394 : vector<16xf32>
      %mul3A_396 = arith.constant 6 : i32
      %mul3A_397 = arith.muli %scan3A_126, %mul3A_396 : i32
      %add3A_398 = arith.constant 4 : i32
      %add3A_399 = arith.addi %mul3A_397, %add3A_398 : i32
      %get3A_400 = arith.index_cast %add3A_399 : i32 to index
      %get3A_401 = arith.constant 48 : index
      %get3A_402 = tpu.vector_load %arg8[%get3A_400, %get3A_401] {strides = array<i32>} : memref<768x64xf32, #tpu.memory_space<vmem>>, vector<1x16xf32>,
      %get3A_403 = vector.shape_cast %get3A_402 : vector<1x16xf32> to vector<16xf32>
      %mul3A_404 = arith.mulf %get3A_165, %get3A_403 : vector<16xf32>
      %add3A_405 = arith.addf %add3A_395, %mul3A_404 : vector<16xf32>
      %mul3A_406 = arith.constant 6 : i32
      %mul3A_407 = arith.muli %scan3A_126, %mul3A_406 : i32
      %add3A_408 = arith.constant 5 : i32
      %add3A_409 = arith.addi %mul3A_407, %add3A_408 : i32
      %get3A_410 = arith.index_cast %add3A_409 : i32 to index
      %get3A_411 = arith.constant 48 : index
      %get3A_412 = tpu.vector_load %arg8[%get3A_410, %get3A_411] {strides = array<i32>} : memref<768x64xf32, #tpu.memory_space<vmem>>, vector<1x16xf32>,
      %get3A_413 = vector.shape_cast %get3A_412 : vector<1x16xf32> to vector<16xf32>
      %mul3A_414 = arith.mulf %get3A_173, %get3A_413 : vector<16xf32>
      %add3A_415 = arith.addf %add3A_405, %mul3A_414 : vector<16xf32>
      %swap3A_416 = arith.index_cast %scan3A_126 : i32 to index
      %swap3A_417 = arith.constant 48 : index
      %swap3A_418 = tpu.vector_load %arg9[%swap3A_416, %swap3A_417] {strides = array<i32>} : memref<128x64xf32, #tpu.memory_space<vmem>>, vector<1x16xf32>,
      %swap3A_419 = vector.shape_cast %swap3A_418 : vector<1x16xf32> to vector<16xf32>
      %swap3A_420 = vector.shape_cast %add3A_415 : vector<16xf32> to vector<1x16xf32>
      tpu.vector_store %arg9[%swap3A_416, %swap3A_417], %swap3A_420 {strides = array<i32>} : memref<128x64xf32, #tpu.memory_space<vmem>>, vector<1x16xf32>,
    }
    %scan3A_123 = arith.constant 128 : i32
    %mul3A_124 = arith.constant 128 : i32
    %mul3A_125 = arith.muli %add3A, %mul3A_124 : i32
    "tpu.region"() ({
      %run_scoped3A = tpu.sem_alloc : memref<!tpu.dma_semaphore, #tpu.memory_space<semaphore_mem>>
      %dma_start3A_126 = arith.constant 0 : i32
      %dma_start3A_127 = tpu.memref_slice %arg5[%mul3A_125, %dma_start3A_126] : memref<4096x64xf32, #tpu.memory_space<hbm>> -> memref<128x64xf32, #tpu.memory_space<hbm>>
      %dma_start3A_128 = arith.constant 0 : i32
      %dma_start3A_129 = tpu.memref_slice %arg5[%mul3A_125, %dma_start3A_128] : memref<4096x64xf32, #tpu.memory_space<hbm>> -> memref<128x64xf32, #tpu.memory_space<hbm>>
      tpu.enqueue_dma source(%arg9 : memref<128x64xf32, #tpu.memory_space<vmem>>) target(%dma_start3A_129 : memref<128x64xf32, #tpu.memory_space<hbm>>) target_semaphore(%run_scoped3A : memref<!tpu.dma_semaphore, #tpu.memory_space<semaphore_mem>>)
      %dma_wait3A_130 = arith.constant 0 : i32
      %dma_wait3A_131 = tpu.memref_slice %arg5[%mul3A_125, %dma_wait3A_130] : memref<4096x64xf32, #tpu.memory_space<hbm>> -> memref<128x64xf32, #tpu.memory_space<hbm>>
      %dma_wait3A_132 = arith.constant 0 : i32
      %dma_wait3A_133 = tpu.memref_slice %arg5[%mul3A_125, %dma_wait3A_132] : memref<4096x64xf32, #tpu.memory_space<hbm>> -> memref<128x64xf32, #tpu.memory_space<hbm>>
      tpu.wait_dma2 semaphore(%run_scoped3A : memref<!tpu.dma_semaphore, #tpu.memory_space<semaphore_mem>>) src(%arg9 : memref<128x64xf32, #tpu.memory_space<vmem>>) dst(%dma_wait3A_133 : memref<128x64xf32, #tpu.memory_space<hbm>>)
      tpu.yield
    }) : () -> ()
    return
  }
}

module attributes {stable_mosaic.version = 14 : i64} {
  func.func @_topk_body(%arg0: i32, %arg1: i32, %arg2: memref<512x64xf32, #tpu.memory_space<vmem>>, %arg3: memref<6400x64xf32, #tpu.memory_space<vmem>>, %arg4: memref<1x6400xf32, #tpu.memory_space<vmem>>, %arg5: memref<512x8xf32, #tpu.memory_space<vmem>>, %arg6: memref<512x8xi32, #tpu.memory_space<vmem>>, %arg7: memref<16x512x8xf32, #tpu.memory_space<vmem>>, %arg8: memref<16x512x8xi32, #tpu.memory_space<vmem>>) attributes {dimension_semantics = [#tpu.dimension_semantics<parallel>, #tpu.dimension_semantics<arbitrary>], iteration_bounds = array<i64: 8, 16>, scalar_prefetch = 0 : i64, scratch_operands = 2 : i64, tpu.core_type = #tpu.core_type<tc>, window_params = [{transform_indices = @transform_0, window_bounds = array<i64: 512, 64>}, {transform_indices = @transform_1, window_bounds = array<i64: 6400, 64>}, {transform_indices = @transform_2, window_bounds = array<i64: 1, 6400>}, {transform_indices = @transform_3, window_bounds = array<i64: 512, 8>}, {transform_indices = @transform_4, window_bounds = array<i64: 512, 8>}]} {
    %eq3A = arith.constant 0 : i32
    %eq3A_0 = arith.cmpi eq, %arg1, %eq3A : i32
    %convert_element_type3A = arith.extui %eq3A_0 : i1 to i32
    %cond3A = arith.constant 0 : i32
    %cond3A_1 = arith.cmpi ne, %convert_element_type3A, %cond3A : i32
    scf.if %cond3A_1 {
      %broadcast_in_dim3A_148 = arith.constant 0x7F800000 : f32
      %broadcast_in_dim3A_149 = vector.broadcast %broadcast_in_dim3A_148 : f32 to vector<16x512x8xf32>
      %swap3A_150 = arith.constant 0 : index
      %swap3A_151 = arith.constant 0 : index
      %swap3A_152 = arith.constant 0 : index
      %swap3A_153 = vector.load %arg7[%swap3A_150, %swap3A_151, %swap3A_152] : memref<16x512x8xf32, #tpu.memory_space<vmem>>, vector<16x512x8xf32>
      tpu.vector_store %arg7[%swap3A_150, %swap3A_151, %swap3A_152], %broadcast_in_dim3A_149 {strides = array<i32>} : memref<16x512x8xf32, #tpu.memory_space<vmem>>, vector<16x512x8xf32>,
      %broadcast_in_dim3A_154 = arith.constant 0 : i32
      %broadcast_in_dim3A_155 = vector.broadcast %broadcast_in_dim3A_154 : i32 to vector<16x512x8xi32>
      %swap3A_156 = arith.constant 0 : index
      %swap3A_157 = arith.constant 0 : index
      %swap3A_158 = arith.constant 0 : index
      %swap3A_159 = vector.load %arg8[%swap3A_156, %swap3A_157, %swap3A_158] : memref<16x512x8xi32, #tpu.memory_space<vmem>>, vector<16x512x8xi32>
      tpu.vector_store %arg8[%swap3A_156, %swap3A_157, %swap3A_158], %broadcast_in_dim3A_155 {strides = array<i32>} : memref<16x512x8xi32, #tpu.memory_space<vmem>>, vector<16x512x8xi32>,
    } else {
    }
    %get3A = arith.constant 0 : index
    %get3A_2 = arith.constant 0 : index
    %get3A_3 = vector.load %arg2[%get3A, %get3A_2] : memref<512x64xf32, #tpu.memory_space<vmem>>, vector<512x64xf32>
    %get3A_4 = arith.constant 0 : index
    %get3A_5 = arith.constant 0 : index
    %get3A_6 = vector.load %arg3[%get3A_4, %get3A_5] : memref<6400x64xf32, #tpu.memory_space<vmem>>, vector<6400x64xf32>
    %dot_general3A = arith.constant dense<0.000000e+00> : vector<512x6400xf32>
    %dot_general3A_7 = tpu.matmul %get3A_3, %get3A_6, %dot_general3A {dimension_numbers = #tpu.dot_dimension_numbers<[1], [1], [0], [0], [0, 0, 1, 0], [], []>, transpose_lhs_hint = false} : vector<512x64xf32>, vector<6400x64xf32>, vector<512x6400xf32> -> vector<512x6400xf32>
    %mul3A = arith.constant -2.000000e+00 : f32
    %mul3A_8 = vector.broadcast %mul3A : f32 to vector<512x6400xf32>
    %mul3A_9 = arith.mulf %mul3A_8, %dot_general3A_7 : vector<512x6400xf32>
    %get3A_10 = arith.constant 0 : index
    %get3A_11 = arith.constant 0 : index
    %get3A_12 = vector.load %arg4[%get3A_10, %get3A_11] : memref<1x6400xf32, #tpu.memory_space<vmem>>, vector<1x6400xf32>
    %add3A = vector.broadcast %get3A_12 : vector<1x6400xf32> to vector<512x6400xf32>
    %add3A_13 = arith.addf %mul3A_9, %add3A : vector<512x6400xf32>
    %iota3A = tpu.iota {dimensions = array<i32: 1>} : vector<512x6400xi32>
    %reduce_min3A = arith.constant dense<0x7F800000> : vector<512xf32>
    %reduce_min3A_14 = vector.multi_reduction <minimumf>, %add3A_13, %reduce_min3A [1] : vector<512x6400xf32> to vector<512xf32>
    %broadcast_in_dim3A = vector.shape_cast %reduce_min3A_14 : vector<512xf32> to vector<512x1xf32>
    %eq3A_15 = vector.broadcast %broadcast_in_dim3A : vector<512x1xf32> to vector<512x6400xf32>
    %eq3A_16 = arith.cmpf oeq, %add3A_13, %eq3A_15 : vector<512x6400xf32>
    %jit3A = arith.constant 2147483647 : i32
    %broadcast_in_dim3A_17 = vector.broadcast %jit3A : i32 to vector<512x6400xi32>
    %select_n3A = arith.select %eq3A_16, %iota3A, %broadcast_in_dim3A_17 : vector<512x6400xi1>, vector<512x6400xi32>
    %reduce_min3A_18 = arith.constant dense<2147483647> : vector<512xi32>
    %reduce_min3A_19 = vector.multi_reduction <minsi>, %select_n3A, %reduce_min3A_18 [1] : vector<512x6400xi32> to vector<512xi32>
    %broadcast_in_dim3A_20 = vector.shape_cast %reduce_min3A_19 : vector<512xi32> to vector<512x1xi32>
    %mul3A_21 = arith.constant 6400 : i32
    %mul3A_22 = arith.muli %arg1, %mul3A_21 : i32
    %add3A_23 = vector.broadcast %mul3A_22 : i32 to vector<512x1xi32>
    %add3A_24 = arith.addi %add3A_23, %broadcast_in_dim3A_20 : vector<512x1xi32>
    %eq3A_25 = vector.broadcast %broadcast_in_dim3A_20 : vector<512x1xi32> to vector<512x6400xi32>
    %eq3A_26 = arith.cmpi eq, %select_n3A, %eq3A_25 : vector<512x6400xi32>
    %jit3A_27 = arith.constant 0x7F800000 : f32
    %broadcast_in_dim3A_28 = vector.broadcast %jit3A_27 : f32 to vector<512x6400xf32>
    %select_n3A_29 = arith.select %eq3A_26, %broadcast_in_dim3A_28, %add3A_13 : vector<512x6400xi1>, vector<512x6400xf32>
    %reduce_min3A_30 = arith.constant dense<0x7F800000> : vector<512xf32>
    %reduce_min3A_31 = vector.multi_reduction <minimumf>, %select_n3A_29, %reduce_min3A_30 [1] : vector<512x6400xf32> to vector<512xf32>
    %broadcast_in_dim3A_32 = vector.shape_cast %reduce_min3A_31 : vector<512xf32> to vector<512x1xf32>
    %eq3A_33 = vector.broadcast %broadcast_in_dim3A_32 : vector<512x1xf32> to vector<512x6400xf32>
    %eq3A_34 = arith.cmpf oeq, %select_n3A_29, %eq3A_33 : vector<512x6400xf32>
    %jit3A_35 = arith.constant 2147483647 : i32
    %broadcast_in_dim3A_36 = vector.broadcast %jit3A_35 : i32 to vector<512x6400xi32>
    %select_n3A_37 = arith.select %eq3A_34, %iota3A, %broadcast_in_dim3A_36 : vector<512x6400xi1>, vector<512x6400xi32>
    %reduce_min3A_38 = arith.constant dense<2147483647> : vector<512xi32>
    %reduce_min3A_39 = vector.multi_reduction <minsi>, %select_n3A_37, %reduce_min3A_38 [1] : vector<512x6400xi32> to vector<512xi32>
    %broadcast_in_dim3A_40 = vector.shape_cast %reduce_min3A_39 : vector<512xi32> to vector<512x1xi32>
    %mul3A_41 = arith.constant 6400 : i32
    %mul3A_42 = arith.muli %arg1, %mul3A_41 : i32
    %add3A_43 = vector.broadcast %mul3A_42 : i32 to vector<512x1xi32>
    %add3A_44 = arith.addi %add3A_43, %broadcast_in_dim3A_40 : vector<512x1xi32>
    %eq3A_45 = vector.broadcast %broadcast_in_dim3A_40 : vector<512x1xi32> to vector<512x6400xi32>
    %eq3A_46 = arith.cmpi eq, %select_n3A_37, %eq3A_45 : vector<512x6400xi32>
    %jit3A_47 = arith.constant 0x7F800000 : f32
    %broadcast_in_dim3A_48 = vector.broadcast %jit3A_47 : f32 to vector<512x6400xf32>
    %select_n3A_49 = arith.select %eq3A_46, %broadcast_in_dim3A_48, %select_n3A_29 : vector<512x6400xi1>, vector<512x6400xf32>
    %reduce_min3A_50 = arith.constant dense<0x7F800000> : vector<512xf32>
    %reduce_min3A_51 = vector.multi_reduction <minimumf>, %select_n3A_49, %reduce_min3A_50 [1] : vector<512x6400xf32> to vector<512xf32>
    %broadcast_in_dim3A_52 = vector.shape_cast %reduce_min3A_51 : vector<512xf32> to vector<512x1xf32>
    %eq3A_53 = vector.broadcast %broadcast_in_dim3A_52 : vector<512x1xf32> to vector<512x6400xf32>
    %eq3A_54 = arith.cmpf oeq, %select_n3A_49, %eq3A_53 : vector<512x6400xf32>
    %jit3A_55 = arith.constant 2147483647 : i32
    %broadcast_in_dim3A_56 = vector.broadcast %jit3A_55 : i32 to vector<512x6400xi32>
    %select_n3A_57 = arith.select %eq3A_54, %iota3A, %broadcast_in_dim3A_56 : vector<512x6400xi1>, vector<512x6400xi32>
    %reduce_min3A_58 = arith.constant dense<2147483647> : vector<512xi32>
    %reduce_min3A_59 = vector.multi_reduction <minsi>, %select_n3A_57, %reduce_min3A_58 [1] : vector<512x6400xi32> to vector<512xi32>
    %broadcast_in_dim3A_60 = vector.shape_cast %reduce_min3A_59 : vector<512xi32> to vector<512x1xi32>
    %mul3A_61 = arith.constant 6400 : i32
    %mul3A_62 = arith.muli %arg1, %mul3A_61 : i32
    %add3A_63 = vector.broadcast %mul3A_62 : i32 to vector<512x1xi32>
    %add3A_64 = arith.addi %add3A_63, %broadcast_in_dim3A_60 : vector<512x1xi32>
    %eq3A_65 = vector.broadcast %broadcast_in_dim3A_60 : vector<512x1xi32> to vector<512x6400xi32>
    %eq3A_66 = arith.cmpi eq, %select_n3A_57, %eq3A_65 : vector<512x6400xi32>
    %jit3A_67 = arith.constant 0x7F800000 : f32
    %broadcast_in_dim3A_68 = vector.broadcast %jit3A_67 : f32 to vector<512x6400xf32>
    %select_n3A_69 = arith.select %eq3A_66, %broadcast_in_dim3A_68, %select_n3A_49 : vector<512x6400xi1>, vector<512x6400xf32>
    %reduce_min3A_70 = arith.constant dense<0x7F800000> : vector<512xf32>
    %reduce_min3A_71 = vector.multi_reduction <minimumf>, %select_n3A_69, %reduce_min3A_70 [1] : vector<512x6400xf32> to vector<512xf32>
    %broadcast_in_dim3A_72 = vector.shape_cast %reduce_min3A_71 : vector<512xf32> to vector<512x1xf32>
    %eq3A_73 = vector.broadcast %broadcast_in_dim3A_72 : vector<512x1xf32> to vector<512x6400xf32>
    %eq3A_74 = arith.cmpf oeq, %select_n3A_69, %eq3A_73 : vector<512x6400xf32>
    %jit3A_75 = arith.constant 2147483647 : i32
    %broadcast_in_dim3A_76 = vector.broadcast %jit3A_75 : i32 to vector<512x6400xi32>
    %select_n3A_77 = arith.select %eq3A_74, %iota3A, %broadcast_in_dim3A_76 : vector<512x6400xi1>, vector<512x6400xi32>
    %reduce_min3A_78 = arith.constant dense<2147483647> : vector<512xi32>
    %reduce_min3A_79 = vector.multi_reduction <minsi>, %select_n3A_77, %reduce_min3A_78 [1] : vector<512x6400xi32> to vector<512xi32>
    %broadcast_in_dim3A_80 = vector.shape_cast %reduce_min3A_79 : vector<512xi32> to vector<512x1xi32>
    %mul3A_81 = arith.constant 6400 : i32
    %mul3A_82 = arith.muli %arg1, %mul3A_81 : i32
    %add3A_83 = vector.broadcast %mul3A_82 : i32 to vector<512x1xi32>
    %add3A_84 = arith.addi %add3A_83, %broadcast_in_dim3A_80 : vector<512x1xi32>
    %eq3A_85 = vector.broadcast %broadcast_in_dim3A_80 : vector<512x1xi32> to vector<512x6400xi32>
    %eq3A_86 = arith.cmpi eq, %select_n3A_77, %eq3A_85 : vector<512x6400xi32>
    %jit3A_87 = arith.constant 0x7F800000 : f32
    %broadcast_in_dim3A_88 = vector.broadcast %jit3A_87 : f32 to vector<512x6400xf32>
    %select_n3A_89 = arith.select %eq3A_86, %broadcast_in_dim3A_88, %select_n3A_69 : vector<512x6400xi1>, vector<512x6400xf32>
    %reduce_min3A_90 = arith.constant dense<0x7F800000> : vector<512xf32>
    %reduce_min3A_91 = vector.multi_reduction <minimumf>, %select_n3A_89, %reduce_min3A_90 [1] : vector<512x6400xf32> to vector<512xf32>
    %broadcast_in_dim3A_92 = vector.shape_cast %reduce_min3A_91 : vector<512xf32> to vector<512x1xf32>
    %eq3A_93 = vector.broadcast %broadcast_in_dim3A_92 : vector<512x1xf32> to vector<512x6400xf32>
    %eq3A_94 = arith.cmpf oeq, %select_n3A_89, %eq3A_93 : vector<512x6400xf32>
    %jit3A_95 = arith.constant 2147483647 : i32
    %broadcast_in_dim3A_96 = vector.broadcast %jit3A_95 : i32 to vector<512x6400xi32>
    %select_n3A_97 = arith.select %eq3A_94, %iota3A, %broadcast_in_dim3A_96 : vector<512x6400xi1>, vector<512x6400xi32>
    %reduce_min3A_98 = arith.constant dense<2147483647> : vector<512xi32>
    %reduce_min3A_99 = vector.multi_reduction <minsi>, %select_n3A_97, %reduce_min3A_98 [1] : vector<512x6400xi32> to vector<512xi32>
    %broadcast_in_dim3A_100 = vector.shape_cast %reduce_min3A_99 : vector<512xi32> to vector<512x1xi32>
    %mul3A_101 = arith.constant 6400 : i32
    %mul3A_102 = arith.muli %arg1, %mul3A_101 : i32
    %add3A_103 = vector.broadcast %mul3A_102 : i32 to vector<512x1xi32>
    %add3A_104 = arith.addi %add3A_103, %broadcast_in_dim3A_100 : vector<512x1xi32>
    %eq3A_105 = vector.broadcast %broadcast_in_dim3A_100 : vector<512x1xi32> to vector<512x6400xi32>
    %eq3A_106 = arith.cmpi eq, %select_n3A_97, %eq3A_105 : vector<512x6400xi32>
    %jit3A_107 = arith.constant 0x7F800000 : f32
    %broadcast_in_dim3A_108 = vector.broadcast %jit3A_107 : f32 to vector<512x6400xf32>
    %select_n3A_109 = arith.select %eq3A_106, %broadcast_in_dim3A_108, %select_n3A_89 : vector<512x6400xi1>, vector<512x6400xf32>
    %reduce_min3A_110 = arith.constant dense<0x7F800000> : vector<512xf32>
    %reduce_min3A_111 = vector.multi_reduction <minimumf>, %select_n3A_109, %reduce_min3A_110 [1] : vector<512x6400xf32> to vector<512xf32>
    %broadcast_in_dim3A_112 = vector.shape_cast %reduce_min3A_111 : vector<512xf32> to vector<512x1xf32>
    %eq3A_113 = vector.broadcast %broadcast_in_dim3A_112 : vector<512x1xf32> to vector<512x6400xf32>
    %eq3A_114 = arith.cmpf oeq, %select_n3A_109, %eq3A_113 : vector<512x6400xf32>
    %jit3A_115 = arith.constant 2147483647 : i32
    %broadcast_in_dim3A_116 = vector.broadcast %jit3A_115 : i32 to vector<512x6400xi32>
    %select_n3A_117 = arith.select %eq3A_114, %iota3A, %broadcast_in_dim3A_116 : vector<512x6400xi1>, vector<512x6400xi32>
    %reduce_min3A_118 = arith.constant dense<2147483647> : vector<512xi32>
    %reduce_min3A_119 = vector.multi_reduction <minsi>, %select_n3A_117, %reduce_min3A_118 [1] : vector<512x6400xi32> to vector<512xi32>
    %broadcast_in_dim3A_120 = vector.shape_cast %reduce_min3A_119 : vector<512xi32> to vector<512x1xi32>
    %mul3A_121 = arith.constant 6400 : i32
    %mul3A_122 = arith.muli %arg1, %mul3A_121 : i32
    %add3A_123 = vector.broadcast %mul3A_122 : i32 to vector<512x1xi32>
    %add3A_124 = arith.addi %add3A_123, %broadcast_in_dim3A_120 : vector<512x1xi32>
    %broadcast_in_dim3A_125 = arith.constant 0x7F800000 : f32
    %broadcast_in_dim3A_126 = vector.broadcast %broadcast_in_dim3A_125 : f32 to vector<512x2xf32>
    %broadcast_in_dim3A_127 = arith.constant 0 : i32
    %broadcast_in_dim3A_128 = vector.broadcast %broadcast_in_dim3A_127 : i32 to vector<512x2xi32>
    %concatenate3A = tpu.concatenate %broadcast_in_dim3A, %broadcast_in_dim3A_32, %broadcast_in_dim3A_52, %broadcast_in_dim3A_72, %broadcast_in_dim3A_92, %broadcast_in_dim3A_112, %broadcast_in_dim3A_126 in 1 : vector<512x1xf32>, vector<512x1xf32>, vector<512x1xf32>, vector<512x1xf32>, vector<512x1xf32>, vector<512x1xf32>, vector<512x2xf32> -> vector<512x8xf32>
    %swap3A = arith.index_cast %arg1 : i32 to index
    %swap3A_129 = arith.constant 0 : index
    %swap3A_130 = arith.constant 0 : index
    %swap3A_131 = vector.load %arg7[%swap3A, %swap3A_129, %swap3A_130] : memref<16x512x8xf32, #tpu.memory_space<vmem>>, vector<1x512x8xf32>
    %swap3A_132 = vector.shape_cast %swap3A_131 : vector<1x512x8xf32> to vector<512x8xf32>
    %swap3A_133 = vector.shape_cast %concatenate3A : vector<512x8xf32> to vector<1x512x8xf32>
    tpu.vector_store %arg7[%swap3A, %swap3A_129, %swap3A_130], %swap3A_133 {strides = array<i32>} : memref<16x512x8xf32, #tpu.memory_space<vmem>>, vector<1x512x8xf32>,
    %concatenate3A_134 = tpu.concatenate %add3A_24, %add3A_44, %add3A_64, %add3A_84, %add3A_104, %add3A_124, %broadcast_in_dim3A_128 in 1 : vector<512x1xi32>, vector<512x1xi32>, vector<512x1xi32>, vector<512x1xi32>, vector<512x1xi32>, vector<512x1xi32>, vector<512x2xi32> -> vector<512x8xi32>
    %swap3A_135 = arith.index_cast %arg1 : i32 to index
    %swap3A_136 = arith.constant 0 : index
    %swap3A_137 = arith.constant 0 : index
    %swap3A_138 = vector.load %arg8[%swap3A_135, %swap3A_136, %swap3A_137] : memref<16x512x8xi32, #tpu.memory_space<vmem>>, vector<1x512x8xi32>
    %swap3A_139 = vector.shape_cast %swap3A_138 : vector<1x512x8xi32> to vector<512x8xi32>
    %swap3A_140 = vector.shape_cast %concatenate3A_134 : vector<512x8xi32> to vector<1x512x8xi32>
    tpu.vector_store %arg8[%swap3A_135, %swap3A_136, %swap3A_137], %swap3A_140 {strides = array<i32>} : memref<16x512x8xi32, #tpu.memory_space<vmem>>, vector<1x512x8xi32>,
    %eq3A_141 = arith.constant 15 : i32
    %eq3A_142 = arith.cmpi eq, %arg1, %eq3A_141 : i32
    %convert_element_type3A_143 = arith.extui %eq3A_142 : i1 to i32
    %cond3A_144 = arith.constant 2147483647 : i32
    %cond3A_145 = arith.constant 0x7F800000 : f32
    %cond3A_146 = arith.constant 0 : i32
    %cond3A_147 = arith.cmpi ne, %convert_element_type3A_143, %cond3A_146 : i32
    scf.if %cond3A_147 {
      %get3A_148 = arith.constant 0 : index
      %get3A_149 = arith.constant 0 : index
      %get3A_150 = arith.constant 0 : index
      %get3A_151 = vector.load %arg7[%get3A_148, %get3A_149, %get3A_150] : memref<16x512x8xf32, #tpu.memory_space<vmem>>, vector<16x512x8xf32>
      %get3A_152 = arith.constant 0 : index
      %get3A_153 = arith.constant 0 : index
      %get3A_154 = arith.constant 0 : index
      %get3A_155 = vector.load %arg8[%get3A_152, %get3A_153, %get3A_154] : memref<16x512x8xi32, #tpu.memory_space<vmem>>, vector<16x512x8xi32>
      %reduce_min3A_156 = arith.constant dense<0x7F800000> : vector<512x8xf32>
      %reduce_min3A_157 = vector.multi_reduction <minimumf>, %get3A_151, %reduce_min3A_156 [0] : vector<16x512x8xf32> to vector<512x8xf32>
      %reduce_min3A_158 = arith.constant dense<0x7F800000> : vector<512xf32>
      %reduce_min3A_159 = vector.multi_reduction <minimumf>, %reduce_min3A_157, %reduce_min3A_158 [1] : vector<512x8xf32> to vector<512xf32>
      %broadcast_in_dim3A_160 = vector.shape_cast %reduce_min3A_159 : vector<512xf32> to vector<512x1xf32>
      %broadcast_in_dim3A_161 = vector.shape_cast %broadcast_in_dim3A_160 : vector<512x1xf32> to vector<1x512x1xf32>
      %eq3A_162 = vector.broadcast %broadcast_in_dim3A_161 : vector<1x512x1xf32> to vector<16x512x8xf32>
      %eq3A_163 = arith.cmpf oeq, %get3A_151, %eq3A_162 : vector<16x512x8xf32>
      %broadcast_in_dim3A_164 = vector.broadcast %cond3A_144 : i32 to vector<16x512x8xi32>
      %select_n3A_165 = arith.select %eq3A_163, %get3A_155, %broadcast_in_dim3A_164 : vector<16x512x8xi1>, vector<16x512x8xi32>
      %reduce_min3A_166 = arith.constant dense<2147483647> : vector<512x8xi32>
      %reduce_min3A_167 = vector.multi_reduction <minsi>, %select_n3A_165, %reduce_min3A_166 [0] : vector<16x512x8xi32> to vector<512x8xi32>
      %reduce_min3A_168 = arith.constant dense<2147483647> : vector<512xi32>
      %reduce_min3A_169 = vector.multi_reduction <minsi>, %reduce_min3A_167, %reduce_min3A_168 [1] : vector<512x8xi32> to vector<512xi32>
      %broadcast_in_dim3A_170 = vector.shape_cast %reduce_min3A_169 : vector<512xi32> to vector<512x1xi32>
      %broadcast_in_dim3A_171 = vector.shape_cast %broadcast_in_dim3A_170 : vector<512x1xi32> to vector<1x512x1xi32>
      %eq3A_172 = vector.broadcast %broadcast_in_dim3A_171 : vector<1x512x1xi32> to vector<16x512x8xi32>
      %eq3A_173 = arith.cmpi eq, %get3A_155, %eq3A_172 : vector<16x512x8xi32>
      %and3A = arith.andi %eq3A_163, %eq3A_173 : vector<16x512x8xi1>
      %broadcast_in_dim3A_174 = vector.broadcast %cond3A_145 : f32 to vector<16x512x8xf32>
      %select_n3A_175 = arith.select %and3A, %broadcast_in_dim3A_174, %get3A_151 : vector<16x512x8xi1>, vector<16x512x8xf32>
      %reduce_min3A_176 = arith.constant dense<0x7F800000> : vector<512x8xf32>
      %reduce_min3A_177 = vector.multi_reduction <minimumf>, %select_n3A_175, %reduce_min3A_176 [0] : vector<16x512x8xf32> to vector<512x8xf32>
      %reduce_min3A_178 = arith.constant dense<0x7F800000> : vector<512xf32>
      %reduce_min3A_179 = vector.multi_reduction <minimumf>, %reduce_min3A_177, %reduce_min3A_178 [1] : vector<512x8xf32> to vector<512xf32>
      %broadcast_in_dim3A_180 = vector.shape_cast %reduce_min3A_179 : vector<512xf32> to vector<512x1xf32>
      %broadcast_in_dim3A_181 = vector.shape_cast %broadcast_in_dim3A_180 : vector<512x1xf32> to vector<1x512x1xf32>
      %eq3A_182 = vector.broadcast %broadcast_in_dim3A_181 : vector<1x512x1xf32> to vector<16x512x8xf32>
      %eq3A_183 = arith.cmpf oeq, %select_n3A_175, %eq3A_182 : vector<16x512x8xf32>
      %broadcast_in_dim3A_184 = vector.broadcast %cond3A_144 : i32 to vector<16x512x8xi32>
      %select_n3A_185 = arith.select %eq3A_183, %get3A_155, %broadcast_in_dim3A_184 : vector<16x512x8xi1>, vector<16x512x8xi32>
      %reduce_min3A_186 = arith.constant dense<2147483647> : vector<512x8xi32>
      %reduce_min3A_187 = vector.multi_reduction <minsi>, %select_n3A_185, %reduce_min3A_186 [0] : vector<16x512x8xi32> to vector<512x8xi32>
      %reduce_min3A_188 = arith.constant dense<2147483647> : vector<512xi32>
      %reduce_min3A_189 = vector.multi_reduction <minsi>, %reduce_min3A_187, %reduce_min3A_188 [1] : vector<512x8xi32> to vector<512xi32>
      %broadcast_in_dim3A_190 = vector.shape_cast %reduce_min3A_189 : vector<512xi32> to vector<512x1xi32>
      %broadcast_in_dim3A_191 = vector.shape_cast %broadcast_in_dim3A_190 : vector<512x1xi32> to vector<1x512x1xi32>
      %eq3A_192 = vector.broadcast %broadcast_in_dim3A_191 : vector<1x512x1xi32> to vector<16x512x8xi32>
      %eq3A_193 = arith.cmpi eq, %get3A_155, %eq3A_192 : vector<16x512x8xi32>
      %and3A_194 = arith.andi %eq3A_183, %eq3A_193 : vector<16x512x8xi1>
      %broadcast_in_dim3A_195 = vector.broadcast %cond3A_145 : f32 to vector<16x512x8xf32>
      %select_n3A_196 = arith.select %and3A_194, %broadcast_in_dim3A_195, %select_n3A_175 : vector<16x512x8xi1>, vector<16x512x8xf32>
      %reduce_min3A_197 = arith.constant dense<0x7F800000> : vector<512x8xf32>
      %reduce_min3A_198 = vector.multi_reduction <minimumf>, %select_n3A_196, %reduce_min3A_197 [0] : vector<16x512x8xf32> to vector<512x8xf32>
      %reduce_min3A_199 = arith.constant dense<0x7F800000> : vector<512xf32>
      %reduce_min3A_200 = vector.multi_reduction <minimumf>, %reduce_min3A_198, %reduce_min3A_199 [1] : vector<512x8xf32> to vector<512xf32>
      %broadcast_in_dim3A_201 = vector.shape_cast %reduce_min3A_200 : vector<512xf32> to vector<512x1xf32>
      %broadcast_in_dim3A_202 = vector.shape_cast %broadcast_in_dim3A_201 : vector<512x1xf32> to vector<1x512x1xf32>
      %eq3A_203 = vector.broadcast %broadcast_in_dim3A_202 : vector<1x512x1xf32> to vector<16x512x8xf32>
      %eq3A_204 = arith.cmpf oeq, %select_n3A_196, %eq3A_203 : vector<16x512x8xf32>
      %broadcast_in_dim3A_205 = vector.broadcast %cond3A_144 : i32 to vector<16x512x8xi32>
      %select_n3A_206 = arith.select %eq3A_204, %get3A_155, %broadcast_in_dim3A_205 : vector<16x512x8xi1>, vector<16x512x8xi32>
      %reduce_min3A_207 = arith.constant dense<2147483647> : vector<512x8xi32>
      %reduce_min3A_208 = vector.multi_reduction <minsi>, %select_n3A_206, %reduce_min3A_207 [0] : vector<16x512x8xi32> to vector<512x8xi32>
      %reduce_min3A_209 = arith.constant dense<2147483647> : vector<512xi32>
      %reduce_min3A_210 = vector.multi_reduction <minsi>, %reduce_min3A_208, %reduce_min3A_209 [1] : vector<512x8xi32> to vector<512xi32>
      %broadcast_in_dim3A_211 = vector.shape_cast %reduce_min3A_210 : vector<512xi32> to vector<512x1xi32>
      %broadcast_in_dim3A_212 = vector.shape_cast %broadcast_in_dim3A_211 : vector<512x1xi32> to vector<1x512x1xi32>
      %eq3A_213 = vector.broadcast %broadcast_in_dim3A_212 : vector<1x512x1xi32> to vector<16x512x8xi32>
      %eq3A_214 = arith.cmpi eq, %get3A_155, %eq3A_213 : vector<16x512x8xi32>
      %and3A_215 = arith.andi %eq3A_204, %eq3A_214 : vector<16x512x8xi1>
      %broadcast_in_dim3A_216 = vector.broadcast %cond3A_145 : f32 to vector<16x512x8xf32>
      %select_n3A_217 = arith.select %and3A_215, %broadcast_in_dim3A_216, %select_n3A_196 : vector<16x512x8xi1>, vector<16x512x8xf32>
      %reduce_min3A_218 = arith.constant dense<0x7F800000> : vector<512x8xf32>
      %reduce_min3A_219 = vector.multi_reduction <minimumf>, %select_n3A_217, %reduce_min3A_218 [0] : vector<16x512x8xf32> to vector<512x8xf32>
      %reduce_min3A_220 = arith.constant dense<0x7F800000> : vector<512xf32>
      %reduce_min3A_221 = vector.multi_reduction <minimumf>, %reduce_min3A_219, %reduce_min3A_220 [1] : vector<512x8xf32> to vector<512xf32>
      %broadcast_in_dim3A_222 = vector.shape_cast %reduce_min3A_221 : vector<512xf32> to vector<512x1xf32>
      %broadcast_in_dim3A_223 = vector.shape_cast %broadcast_in_dim3A_222 : vector<512x1xf32> to vector<1x512x1xf32>
      %eq3A_224 = vector.broadcast %broadcast_in_dim3A_223 : vector<1x512x1xf32> to vector<16x512x8xf32>
      %eq3A_225 = arith.cmpf oeq, %select_n3A_217, %eq3A_224 : vector<16x512x8xf32>
      %broadcast_in_dim3A_226 = vector.broadcast %cond3A_144 : i32 to vector<16x512x8xi32>
      %select_n3A_227 = arith.select %eq3A_225, %get3A_155, %broadcast_in_dim3A_226 : vector<16x512x8xi1>, vector<16x512x8xi32>
      %reduce_min3A_228 = arith.constant dense<2147483647> : vector<512x8xi32>
      %reduce_min3A_229 = vector.multi_reduction <minsi>, %select_n3A_227, %reduce_min3A_228 [0] : vector<16x512x8xi32> to vector<512x8xi32>
      %reduce_min3A_230 = arith.constant dense<2147483647> : vector<512xi32>
      %reduce_min3A_231 = vector.multi_reduction <minsi>, %reduce_min3A_229, %reduce_min3A_230 [1] : vector<512x8xi32> to vector<512xi32>
      %broadcast_in_dim3A_232 = vector.shape_cast %reduce_min3A_231 : vector<512xi32> to vector<512x1xi32>
      %broadcast_in_dim3A_233 = vector.shape_cast %broadcast_in_dim3A_232 : vector<512x1xi32> to vector<1x512x1xi32>
      %eq3A_234 = vector.broadcast %broadcast_in_dim3A_233 : vector<1x512x1xi32> to vector<16x512x8xi32>
      %eq3A_235 = arith.cmpi eq, %get3A_155, %eq3A_234 : vector<16x512x8xi32>
      %and3A_236 = arith.andi %eq3A_225, %eq3A_235 : vector<16x512x8xi1>
      %broadcast_in_dim3A_237 = vector.broadcast %cond3A_145 : f32 to vector<16x512x8xf32>
      %select_n3A_238 = arith.select %and3A_236, %broadcast_in_dim3A_237, %select_n3A_217 : vector<16x512x8xi1>, vector<16x512x8xf32>
      %reduce_min3A_239 = arith.constant dense<0x7F800000> : vector<512x8xf32>
      %reduce_min3A_240 = vector.multi_reduction <minimumf>, %select_n3A_238, %reduce_min3A_239 [0] : vector<16x512x8xf32> to vector<512x8xf32>
      %reduce_min3A_241 = arith.constant dense<0x7F800000> : vector<512xf32>
      %reduce_min3A_242 = vector.multi_reduction <minimumf>, %reduce_min3A_240, %reduce_min3A_241 [1] : vector<512x8xf32> to vector<512xf32>
      %broadcast_in_dim3A_243 = vector.shape_cast %reduce_min3A_242 : vector<512xf32> to vector<512x1xf32>
      %broadcast_in_dim3A_244 = vector.shape_cast %broadcast_in_dim3A_243 : vector<512x1xf32> to vector<1x512x1xf32>
      %eq3A_245 = vector.broadcast %broadcast_in_dim3A_244 : vector<1x512x1xf32> to vector<16x512x8xf32>
      %eq3A_246 = arith.cmpf oeq, %select_n3A_238, %eq3A_245 : vector<16x512x8xf32>
      %broadcast_in_dim3A_247 = vector.broadcast %cond3A_144 : i32 to vector<16x512x8xi32>
      %select_n3A_248 = arith.select %eq3A_246, %get3A_155, %broadcast_in_dim3A_247 : vector<16x512x8xi1>, vector<16x512x8xi32>
      %reduce_min3A_249 = arith.constant dense<2147483647> : vector<512x8xi32>
      %reduce_min3A_250 = vector.multi_reduction <minsi>, %select_n3A_248, %reduce_min3A_249 [0] : vector<16x512x8xi32> to vector<512x8xi32>
      %reduce_min3A_251 = arith.constant dense<2147483647> : vector<512xi32>
      %reduce_min3A_252 = vector.multi_reduction <minsi>, %reduce_min3A_250, %reduce_min3A_251 [1] : vector<512x8xi32> to vector<512xi32>
      %broadcast_in_dim3A_253 = vector.shape_cast %reduce_min3A_252 : vector<512xi32> to vector<512x1xi32>
      %broadcast_in_dim3A_254 = vector.shape_cast %broadcast_in_dim3A_253 : vector<512x1xi32> to vector<1x512x1xi32>
      %eq3A_255 = vector.broadcast %broadcast_in_dim3A_254 : vector<1x512x1xi32> to vector<16x512x8xi32>
      %eq3A_256 = arith.cmpi eq, %get3A_155, %eq3A_255 : vector<16x512x8xi32>
      %and3A_257 = arith.andi %eq3A_246, %eq3A_256 : vector<16x512x8xi1>
      %broadcast_in_dim3A_258 = vector.broadcast %cond3A_145 : f32 to vector<16x512x8xf32>
      %select_n3A_259 = arith.select %and3A_257, %broadcast_in_dim3A_258, %select_n3A_238 : vector<16x512x8xi1>, vector<16x512x8xf32>
      %reduce_min3A_260 = arith.constant dense<0x7F800000> : vector<512x8xf32>
      %reduce_min3A_261 = vector.multi_reduction <minimumf>, %select_n3A_259, %reduce_min3A_260 [0] : vector<16x512x8xf32> to vector<512x8xf32>
      %reduce_min3A_262 = arith.constant dense<0x7F800000> : vector<512xf32>
      %reduce_min3A_263 = vector.multi_reduction <minimumf>, %reduce_min3A_261, %reduce_min3A_262 [1] : vector<512x8xf32> to vector<512xf32>
      %broadcast_in_dim3A_264 = vector.shape_cast %reduce_min3A_263 : vector<512xf32> to vector<512x1xf32>
      %broadcast_in_dim3A_265 = vector.shape_cast %broadcast_in_dim3A_264 : vector<512x1xf32> to vector<1x512x1xf32>
      %eq3A_266 = vector.broadcast %broadcast_in_dim3A_265 : vector<1x512x1xf32> to vector<16x512x8xf32>
      %eq3A_267 = arith.cmpf oeq, %select_n3A_259, %eq3A_266 : vector<16x512x8xf32>
      %broadcast_in_dim3A_268 = vector.broadcast %cond3A_144 : i32 to vector<16x512x8xi32>
      %select_n3A_269 = arith.select %eq3A_267, %get3A_155, %broadcast_in_dim3A_268 : vector<16x512x8xi1>, vector<16x512x8xi32>
      %reduce_min3A_270 = arith.constant dense<2147483647> : vector<512x8xi32>
      %reduce_min3A_271 = vector.multi_reduction <minsi>, %select_n3A_269, %reduce_min3A_270 [0] : vector<16x512x8xi32> to vector<512x8xi32>
      %reduce_min3A_272 = arith.constant dense<2147483647> : vector<512xi32>
      %reduce_min3A_273 = vector.multi_reduction <minsi>, %reduce_min3A_271, %reduce_min3A_272 [1] : vector<512x8xi32> to vector<512xi32>
      %broadcast_in_dim3A_274 = vector.shape_cast %reduce_min3A_273 : vector<512xi32> to vector<512x1xi32>
      %mul3A_275 = arith.mulf %get3A_3, %get3A_3 : vector<512x64xf32>
      %reduce_sum3A = arith.constant dense<0.000000e+00> : vector<512xf32>
      %reduce_sum3A_276 = vector.multi_reduction <add>, %mul3A_275, %reduce_sum3A [1] : vector<512x64xf32> to vector<512xf32>
      %broadcast_in_dim3A_277 = vector.shape_cast %reduce_sum3A_276 : vector<512xf32> to vector<512x1xf32>
      %concatenate3A_278 = tpu.concatenate %broadcast_in_dim3A_160, %broadcast_in_dim3A_180, %broadcast_in_dim3A_201, %broadcast_in_dim3A_222, %broadcast_in_dim3A_243, %broadcast_in_dim3A_264, %broadcast_in_dim3A_126 in 1 : vector<512x1xf32>, vector<512x1xf32>, vector<512x1xf32>, vector<512x1xf32>, vector<512x1xf32>, vector<512x1xf32>, vector<512x2xf32> -> vector<512x8xf32>
      %add3A_279 = vector.broadcast %broadcast_in_dim3A_277 : vector<512x1xf32> to vector<512x8xf32>
      %add3A_280 = arith.addf %concatenate3A_278, %add3A_279 : vector<512x8xf32>
      %max3A = arith.constant 0.000000e+00 : f32
      %max3A_281 = vector.broadcast %max3A : f32 to vector<512x8xf32>
      %max3A_282 = arith.maximumf %add3A_280, %max3A_281 : vector<512x8xf32>
      %sqrt3A = math.sqrt %max3A_282 : vector<512x8xf32>
      %swap3A_283 = arith.constant 0 : index
      %swap3A_284 = arith.constant 0 : index
      %swap3A_285 = vector.load %arg5[%swap3A_283, %swap3A_284] : memref<512x8xf32, #tpu.memory_space<vmem>>, vector<512x8xf32>
      tpu.vector_store %arg5[%swap3A_283, %swap3A_284], %sqrt3A {strides = array<i32>} : memref<512x8xf32, #tpu.memory_space<vmem>>, vector<512x8xf32>,
      %concatenate3A_286 = tpu.concatenate %broadcast_in_dim3A_170, %broadcast_in_dim3A_190, %broadcast_in_dim3A_211, %broadcast_in_dim3A_232, %broadcast_in_dim3A_253, %broadcast_in_dim3A_274, %broadcast_in_dim3A_128 in 1 : vector<512x1xi32>, vector<512x1xi32>, vector<512x1xi32>, vector<512x1xi32>, vector<512x1xi32>, vector<512x1xi32>, vector<512x2xi32> -> vector<512x8xi32>
      %swap3A_287 = arith.constant 0 : index
      %swap3A_288 = arith.constant 0 : index
      %swap3A_289 = vector.load %arg6[%swap3A_287, %swap3A_288] : memref<512x8xi32, #tpu.memory_space<vmem>>, vector<512x8xi32>
      tpu.vector_store %arg6[%swap3A_287, %swap3A_288], %concatenate3A_286 {strides = array<i32>} : memref<512x8xi32, #tpu.memory_space<vmem>>, vector<512x8xi32>,
    } else {
    }
    return
  }
  func.func @transform_0(%arg0: i32, %arg1: i32) -> (i32, i32) {
    %c0_i32 = arith.constant 0 : i32
    %c0_i32_0 = arith.constant 0 : i32
    return %arg0, %c0_i32 : i32, i32
  }
  func.func @transform_1(%arg0: i32, %arg1: i32) -> (i32, i32) {
    %c0_i32 = arith.constant 0 : i32
    %c0_i32_0 = arith.constant 0 : i32
    return %arg1, %c0_i32 : i32, i32
  }
  func.func @transform_2(%arg0: i32, %arg1: i32) -> (i32, i32) {
    %c0_i32 = arith.constant 0 : i32
    %c0_i32_0 = arith.constant 0 : i32
    return %c0_i32, %arg1 : i32, i32
  }
  func.func @transform_3(%arg0: i32, %arg1: i32) -> (i32, i32) {
    %c0_i32 = arith.constant 0 : i32
    %c0_i32_0 = arith.constant 0 : i32
    return %arg0, %c0_i32 : i32, i32
  }
  func.func @transform_4(%arg0: i32, %arg1: i32) -> (i32, i32) {
    %c0_i32 = arith.constant 0 : i32
    %c0_i32_0 = arith.constant 0 : i32
    return %arg0, %c0_i32 : i32, i32
  }
}

</mosaic_0001>

<sc_bundles>
// kernel: kernel.4.cloned.1.call-start
scs
__scs_entry_jumppad:
0x0: {  	(pc) =	sbr.rel $0x88, $3  }
0x1: {  	(tag) =	ssettag $0x0;
	lr =	simm.s32 $0x1  }
0x2: {  	[smem:$0x3F9E] =	sst lr;
	_ =	strace $0xD0000000  }
0x3: {  	_ = 	snop  }
0x4: {  	_ = 	snop  }
0x5: {  	_ = 	snop  }
0x6: {  	_ = 	snop  }
0x7: {  	_ = 	snop  }
__scs_overlays_trampoline_lowered:
0x8: {  	[smem:$0x3FAD] =	sst s0  }
0x9: {  	[smem:$0x3FAE] =	sst s1  }
0xa: {  	[smem:$0x3FAF] =	sst s2  }
0xb: {  	[smem:$0x3FB0] =	sst s3  }
0xc: {  	[smem:$0x3FB1] =	sst s4  }
0xd: {  	[smem:$0x3FB2] =	sst s5  }
0xe: {  	[smem:$0x3FB3] =	sst s6  }
0xf: {  	[smem:$0x3FB4] =	sst s7  }
0x10: {  	[smem:$0x3FB5] =	sst s8  }
0x11: {  	[smem:$0x3FB6] =	sst s9;
	s0 =	simm.s32 @!p0 $0x0  }
0x12: {  	s1 =	sld [smem:$0x3F9C];
	s0 =	simm.s32 @p0 $0x1  }
0x13: {  	[smem:$0x3FB7] =	sst s0;
	s0 =	simm.s32 @!p1 $0x0  }
0x14: {  	s2 =	sld [smem:$0x3F9B];
	s0 =	simm.s32 @p1 $0x1  }
0x15: {  	[smem:$0x3FB8] =	sst s0;
	s0 =	simm.s32 @!p2 $0x0  }
0x16: {  	s3 =	sld [smem:$0x3FDB];
	s0 =	simm.s32 @p2 $0x1  }
0x17: {  	s4 =	simm.s32 $0x1BF5;
	[smem:$0x3FBA] =	sst s0  }
0x18: {  	s0 =	sld [smem:$0x3F9D];
	_ =	swait.ge [sflag:s4], $0x0  }
0x19: {  	s7 =	sld [smem:$0x3F9E]  }
0x1a: {  	s8 =	sadd.s32 $0xFFFFE003, lr  }
0x1b: {  	s9 =	sadd.s32 $0xFFFFFEF7, lr;
	s5 =	simm.s32 $0xFFFFFFFF;
	p2 =	slt.u32 s8, $0xFFFFF086  }
0x1c: {  	p1 =	slt.u32 s9, $0xF7A;
	s5 =	simm.s32 @!p2 $0x0  }
0x1d: {  	s5 =	simm.s32 @p1 $0x1;
	p0 =	seq.s32 s7, s2  }
0x1e: {  	s7 =	smul.u32 @!p0 $0xF7A, s2;
	p2 =	seq.s32 @!p0 s5, $0x0  }
0x1f: {  	s9 =	smul.u32 $0xF7A, s1;
	s8 =	simm.s32 @!p0 $0x1BF5;
	p2 =	por !p2, p0  }
0x20: {  	[sflag:s8] =	ssyncset.s32 @!p0 $0xFFFFF086;
	s6 =	sadd.s32 @!p0 s3, s7;
	s7 =	simm.s32 @!p0 $0x108  }
0x21: {  	s3 =	sadd.s32 s3, s9;
	s6 =	sadd.s32 @!p0 $0x88, s6;
	s7 =	simm.s32 @p2 $0x1082  }
0x22: {  	[simem:s7], [sflag:s8] =	dma.local @!p0 [hbm:s6], $0xF7A  }
0x23: {  	s9 =	sor.u32 $0xD0000000, s2;
	s6 =	simm.s32 $0x108;
	_ =	swait.ge @!p0 [sflag:s8], $0x0  }
0x24: {  	s3 =	sadd.s32 $0x88, s3;
	s6 =	simm.s32 @!p1 $0x1082;
	[sflag:s4] =	ssyncset.s32 $0xFFFFF086  }
0x25: {  	[simem:s6], [sflag:s4] =	dma.local [hbm:s3], $0xF7A  }
0x26: {  	[smem:$0x3F9E] =	sst s1;
	(tag) =	ssettag s2;
	_ =	strace s9  }
0x27: {  	s1 =	sld [smem:$0x3FAE]  }
0x28: {  	s2 =	sld [smem:$0x3FAF]  }
0x29: {  	s4 =	sld [smem:$0x3FB1]  }
0x2a: {  	p0 =	seq.s32 s5, $0x0;
	s5 =	sld [smem:$0x3FB2]  }
0x2b: {  	s6 =	sld [smem:$0x3FB3]  }
0x2c: {  	s7 =	sld [smem:$0x3FB4]  }
0x2d: {  	s3 =	simm.s32 $0x108;
	s8 =	sld [smem:$0x3FB5]  }
0x2e: {  	s3 =	simm.s32 @!p0 $0x1082;
	s9 =	sld [smem:$0x3FB6]  }
0x2f: {  	lr =	sadd.s32 s0, s3;
	s0 =	sld [smem:$0x3FAD]  }
0x30: {  	s3 =	sld [smem:$0x3FB0]  }
0x31: {  	[smem:$0x3FB9] =	sst s10  }
0x32: {  	s10 =	sld [smem:$0x3FB7];
	_ =	sdelay $0x3  }
0x33: {  	p0 =	seq.s32 s10, $0x1;
	s10 =	sld [smem:$0x3FB9];
	_ =	sdelay $0x3  }
0x34: {  	[smem:$0x3FB9] =	sst s10  }
0x35: {  	s10 =	sld [smem:$0x3FB8];
	_ =	sdelay $0x3  }
0x36: {  	p1 =	seq.s32 s10, $0x1;
	s10 =	sld [smem:$0x3FB9];
	_ =	sdelay $0x3  }
0x37: {  	[smem:$0x3FB9] =	sst s10  }
0x38: {  	s10 =	sld [smem:$0x3FBA]  }
0x39: {  	_ = 	snop;
	(pc) =	sbr.ind lr, $3  }
0x3a: {  	_ = 	snop  }
0x3b: {  	_ = 	snop  }
0x3c: {  	p2 =	seq.s32 s10, $0x1;
	s10 =	sld [smem:$0x3FB9]  }
0x3d: {  	_ =	shalt  }
0x3e: {  	_ =	shalt  }
0x3f: {  	_ =	shalt  }
0x40: {  	_ =	shalt  }
0x41: {  	_ =	shalt  }
0x42: {  	_ =	shalt  }
0x43: {  	_ =	shalt  }
0x44: {  	_ =	shalt  }
0x45: {  	_ =	shalt  }
0x46: {  	_ =	shalt  }
0x47: {  	_ =	shalt  }
0x48: {  	_ =	shalt  }
0x49: {  	_ =	shalt  }
0x4a: {  	_ =	shalt  }
0x4b: {  	_ =	shalt  }
0x4c: {  	_ =	shalt  }
0x4d: {  	_ =	shalt  }
0x4e: {  	_ =	shalt  }
0x4f: {  	_ =	shalt  }
0x50: {  	_ =	shalt  }
0x51: {  	_ =	shalt  }
0x52: {  	_ =	shalt  }
0x53: {  	_ =	shalt  }
0x54: {  	_ =	shalt  }
0x55: {  	_ =	shalt  }
0x56: {  	_ =	shalt  }
0x57: {  	_ =	shalt  }
0x58: {  	_ =	shalt  }
0x59: {  	_ =	shalt  }
0x5a: {  	_ =	shalt  }
0x5b: {  	_ =	shalt  }
0x5c: {  	_ =	shalt  }
0x5d: {  	_ =	shalt  }
0x5e: {  	_ =	shalt  }
0x5f: {  	_ =	shalt  }
0x60: {  	_ =	shalt  }
0x61: {  	_ =	shalt  }
0x62: {  	_ =	shalt  }
0x63: {  	_ =	shalt  }
0x64: {  	_ =	shalt  }
0x65: {  	_ =	shalt  }
0x66: {  	_ =	shalt  }
0x67: {  	_ =	shalt  }
0x68: {  	_ =	shalt  }
0x69: {  	_ =	shalt  }
0x6a: {  	_ =	shalt  }
0x6b: {  	_ =	shalt  }
0x6c: {  	_ =	shalt  }
0x6d: {  	_ =	shalt  }
0x6e: {  	_ =	shalt  }
0x6f: {  	_ =	shalt  }
0x70: {  	_ =	shalt  }
0x71: {  	_ =	shalt  }
0x72: {  	_ =	shalt  }
0x73: {  	_ =	shalt  }
0x74: {  	_ =	shalt  }
0x75: {  	_ =	shalt  }
0x76: {  	_ =	shalt  }
0x77: {  	_ =	shalt  }
0x78: {  	_ =	shalt  }
0x79: {  	_ =	shalt  }
0x7a: {  	_ =	shalt  }
0x7b: {  	_ =	shalt  }
0x7c: {  	_ =	shalt  }
0x7d: {  	_ =	shalt  }
0x7e: {  	_ =	shalt  }
0x7f: {  	_ =	shalt  }
0x80: {  	_ =	shalt  }
0x81: {  	_ =	shalt  }
0x82: {  	_ =	shalt  }
0x83: {  	_ =	shalt  }
0x84: {  	_ =	shalt  }
0x85: {  	_ =	shalt  }
0x86: {  	_ =	shalt  }
0x87: {  	_ =	shalt  }
.Lfunc_end0:
.L_simem_size_0:
called_computation_lowered:
.L_overlay_start_0:
0x88: {  	s2 =	sld [smem:$0x3FD9]  }
0x89: {  	s3 =	sld [smem:$0x3FFE];
	_ =	sdelay $0x1  }
0x8a: {  	s1 =	srdreg.scid  }
0x8b: {  	s0 =	sand.u32 $0x1, s1  }
0x8c: {  	s17 =	sshll.u32 s0, $0xA;
	s2 =	sadd.s32 s3, s2  }
0x8d: {  	s2 =	sadd.s32 s2, s17  }
0x8e: {  	[smem:$0x3FC5] =	sst s2  }
0x8f: {  	_ = 	snop  }
0x90: {  	s2 =	sld [smem:$0x3FD0];
	(tm) =	ssettm $0x1  }
0x91: {  	s18 =	sld [smem:$0x3FFB];
	_ =	sdelay $0x3  }
0x92: {  	_ =	strace s18  }
0x93: {  	s3 =	sld [smem:$0x3FFC];
	_ =	sdelay $0x3  }
0x94: {  	_ =	strace s3  }
0x95: {  	s3 =	sld [smem:$0x3FFD];
	_ =	sdelay $0x3  }
0x96: {  	_ =	strace s3  }
0x97: {  	_ =	strace $0x8FFFFFFF  }
0x98: {  	s19 =	sld [smem:$0x3FDB];
	_ =	sdelay $0x1  }
0x99: {  	s4 =	simm.s32 $_scs_section_size  }
0x9a: {  	s5 =	simm.s32 $_size__tile_overlayer_lowered;
	s6 =	simm.s32 $_tile_overlayer_lowered  }
0x9b: {  	s22 =	simm.s32 $0x1BFF;
	s21 =	sshll.u32 s6, $0x1;
	s3 =	sadd.s32 s4, s19  }
0x9c: {  	s7 =	simm.s32 $0x0;
	s20 =	sshll.u32 s5, $0x1;
	s5 =	sadd.s32 s21, s3  }
0x9d: {  	[timem:s7], [sflag:s22] =	dma.local [hbm:s5], s20  }
0x9e: {  	_ =	swait.ge [sflag:s22], s20  }
0x9f: {  	s4 =	ssub.s32 $0x0, s20;
	[sflag:s22] =	ssyncset.done $0x0  }
0xa0: {  	[sflag:s22] =	ssyncadd.s32 s4;
	_ =	sdelay $0x1  }
0xa1: {  	s23 =	simm.s32 $0x1B8B  }
0xa2: {  	_ =	swait.ge [sflag:s23], $0x1  }
0xa3: {  	[sflag:s23] =	ssyncset.done $0x0  }
0xa4: {  	s25 =	simm.s32 $0x1B8E;
	s24 =	sld [smem:$0x3FFE];
	[sflag:s23] =	ssyncadd.s32 $0xFFFFFFFF  }
0xa5: {  	s26 =	simm.s32 $execute0_lowered;
	[smem:$0x3FD2] =	sst s25  }
0xa6: {  	s5 =	sshll.u32 s26, $0x1;
	_ =	strace $0x80000046;
	[dreg:$0x1] =	wrdreg $0xFFFFFFFF  }
0xa7: {  	s28 =	simm.s32 $_size_execute0_lowered;
	s3 =	sadd.s32 s3, s5;
	[dreg:$0x0] =	wrdreg $0x0  }
0xa8: {  	s5 =	sshll.u32 s28, $0x1;
	[dreg:$0x2] =	wrdreg s3  }
0xa9: {  	[dreg:$0x3] =	wrdreg s5  }
0xaa: {  	[dreg:$0x4] =	wrdreg $0xC0  }
0xab: {  	_ =	task [dreg:s7], $0x5FFFF  }
0xac: {  	[dreg:$0x1] =	wrdreg $0xFFFFFFFF  }
0xad: {  	[dreg:$0x0] =	wrdreg $0x60  }
0xae: {  	[dreg:$0x2] =	wrdreg s24  }
0xaf: {  	[dreg:$0x3] =	wrdreg s2  }
0xb0: {  	[dreg:$0x4] =	wrdreg $0x9  }
0xb1: {  	_ =	task.clear_ibuf [dreg:s7], $0x5FFFF;
	_ =	strace $0x90000046  }
0xb2: {  	s29 =	simm.s32 $0x9;
	_ =	strace $0x80000048  }
0xb3: {  	_ =	swait.ge [sflag:s29], $0x1  }
0xb4: {  	[sflag:s29] =	ssyncadd.s32 $0xFFFFFFFF  }
0xb5: {  	_ =	strace $0x90000048  }
0xb6: {  	_ =	sfence  }
0xb7: {  	s30 =	sld [smem:$0x0];
	_ =	sdelay $0x2  }
0xb8: {  	s31 =	sshll.u32 s1, $0xD;
	s1 =	sshrl.u32 s1, $0x2  }
0xb9: {  	s3 =	sand.u32 $0x4000, s31;
	s1 =	sadd.s32 s1, s30  }
0xba: {  	s0 =	sor.u32 s3, s0;
	s1 =	sshll.u32 s1, $0x11  }
0xbb: {  	s0 =	sor.u32 s1, s0  }
0xbc: {  	s0 =	sadd.s32 $0x8F2B, s0  }
0xbd: {  	[sflag:s0] =	ssyncadd.remote.s32 $0x1  }
0xbe: {  	_ =	sfence.sel $0xFFFF  }
0xbf: {  	[dreg:$0x0] =	wrdreg $0xFFFFFFFF;
	(pc) =	sbr.abs _section_cstart, $3  }
0xc0: {  	[dreg:$0x1] =	wrdreg $0xFFFFFFFF  }
0xc1: {  	_ =	task.clear_ibuf [dreg:s7], $0x2FFFF;
	_ =	strace $0x9FFFFFFF  }
0xc2: {  	(tm) =	ssettm $0x7FFFFFFF  }
0xc3: {  	_ =	shalt  }
tec
execute0_lowered:
.L_overlay_start_1:
0x0: {  	(tag) =	ssettag $0x1  }
0x1: {  	s5 =	rddreg [dreg:$0x0]  }
0x2: {  	s1 =	srdreg.scid;
	s0 =	stileid.u32  }
0x3: {  	s6 =	rddreg [dreg:$0x1];
	s2 =	simm.s32 $0x0;
	s11 =	simm.s32 $0x3300  }
0x4: {  	s12 =	simm.s32 $0x5300;
	s13 =	simm.s32 $0x100;
	s14 =	simm.s32 $0x7300  }
0x5: {  	s15 =	simm.s32 $0x180;
	s16 =	simm.s32 $0x9300;
	s17 =	simm.s32 $0x200  }
0x6: {  	s18 =	simm.s32 $0xB300;
	s19 =	simm.s32 $0x280;
	s20 =	simm.s32 $0xD300  }
0x7: {  	s21 =	simm.s32 $0x1;
	s22 =	simm.s32 $0xF300;
	s23 =	simm.s32 $0x0  }
0x8: {  	s3 =	sand.u32 $0x1, s1;
	s4 =	sshll.u32 s0, $0x1;
	s1 =	rddreg [dreg:$0x2]  }
0x9: {  	[smem:$0x7FF] =	sst s2;
	s7 =	sor.u32 s3, s4;
	s8 =	ssub.s32 $0x2, s3  }
0xa: {  	_ =	strace $0x80000047;
	s3 =	sadd.s32 $0x193600, s5;
	s4 =	smul.u32 $0x60, s7  }
0xb: {  	s9 =	sshrl.u32 s8, $0x1;
	s10 =	smul.u32 $0x600, s7;
	s7 =	sshll.u32 s7, $0xA  }
0xc: {  	s8 =	ssub.s32 s8, s9;
	s6 =	sadd.s32 s6, s7;
	s9 =	simm.s32 $0x300  }
0xd: {  	s4 =	sadd.s32 s4, s5;
	s5 =	sadd.s32 s5, s10;
	s7 =	smax.u32 s8, $0x1  }
0xe: {  	s8 =	simm.s32 $0x2;
	s10 =	simm.s32 $0x80;
	s4 =	sadd.s32 $0xC000, s4  }
.LBB2_1:
0xf: {  	[tilespmem:s2], [sflag:$0x2] =	stream.linear.gather [hbm4b:s4+s2], $0x300, $0x38;
	[tilespmem:$0x11300] =	vst v63  }
0x10: {  	_ =	swait.ge [sflag:s8], $0x300  }
0x11: {  	[sflag:s8] =	ssyncset.done $0x0  }
0x12: {  	[sflag:s8] =	ssyncadd.s32 $0xFFFFFD00  }
0x13: {  	[tilespmem:s9], [sflag:$0x2] =	stream.linear.gather [hbm4b:s5+s2], $0x3000, $0x38;
	[tilespmem:$0x11300] =	vst v63  }
0x14: {  	_ =	swait.ge [sflag:s8], $0x3000  }
0x15: {  	[sflag:s8] =	ssyncset.done $0x0  }
0x16: {  	[sflag:s8] =	ssyncadd.s32 $0xFFFFD000  }
0x17: {  	[tilespmem:s11], [sflag:$0x1] =	stream.indirect.gather [hbm4b:s3+s10], $0x40, s2, s10, $0xb8;
	[tilespmem:$0x11300] =	vst v63  }
0x18: {  	_ = 	snop  }
0x19: {  	[tilespmem:s12], [sflag:$0x1] =	stream.indirect.gather [hbm4b:s3+s10], $0x40, s10, s10, $0xb8;
	[tilespmem:$0x11300] =	vst v63  }
0x1a: {  	_ = 	snop  }
0x1b: {  	[tilespmem:s14], [sflag:$0x1] =	stream.indirect.gather [hbm4b:s3+s10], $0x40, s13, s10, $0xb8;
	[tilespmem:$0x11300] =	vst v63  }
0x1c: {  	_ = 	snop  }
0x1d: {  	[tilespmem:s16], [sflag:$0x1] =	stream.indirect.gather [hbm4b:s3+s10], $0x40, s15, s10, $0xb8;
	[tilespmem:$0x11300] =	vst v63  }
0x1e: {  	_ = 	snop  }
0x1f: {  	[tilespmem:s18], [sflag:$0x1] =	stream.indirect.gather [hbm4b:s3+s10], $0x40, s17, s10, $0xb8;
	[tilespmem:$0x11300] =	vst v63  }
0x20: {  	_ = 	snop  }
0x21: {  	[tilespmem:s20], [sflag:$0x1] =	stream.indirect.gather [hbm4b:s3+s10], $0x40, s19, s10, $0xb8;
	[tilespmem:$0x11300] =	vst v63  }
0x22: {  	_ =	swait.ge [sflag:s21], $0x2000  }
0x23: {  	[sflag:s21] =	ssyncset.done $0x0  }
0x24: {  	[sflag:s21] =	ssyncadd.s32 $0xFFFFE000  }
0x25: {  	_ =	swait.ge [sflag:s21], $0x2000  }
0x26: {  	[sflag:s21] =	ssyncset.done $0x0  }
0x27: {  	[sflag:s21] =	ssyncadd.s32 $0xFFFFE000  }
0x28: {  	_ =	swait.ge [sflag:s21], $0x2000  }
0x29: {  	[sflag:s21] =	ssyncset.done $0x0  }
0x2a: {  	[sflag:s21] =	ssyncadd.s32 $0xFFFFE000  }
0x2b: {  	_ =	swait.ge [sflag:s21], $0x2000  }
0x2c: {  	[sflag:s21] =	ssyncset.done $0x0  }
0x2d: {  	[sflag:s21] =	ssyncadd.s32 $0xFFFFE000  }
0x2e: {  	_ =	swait.ge [sflag:s21], $0x2000  }
0x2f: {  	[sflag:s21] =	ssyncset.done $0x0  }
0x30: {  	[sflag:s21] =	ssyncadd.s32 $0xFFFFE000  }
0x31: {  	_ =	swait.ge [sflag:s21], $0x2000  }
0x32: {  	[sflag:s21] =	ssyncset.done $0x0  }
0x33: {  	s24 =	simm.s32 $0x330;
	[sflag:s21] =	ssyncadd.s32 $0xFFFFE000  }
0x34: {  	s25 =	simm.s32 $0x33C0;
	v0 =	vld [tilespmem:s24+$0xFFFFFFE0]  }
0x35: {  	v1 =	vld [tilespmem:s25+$0xFFFFFF40]  }
0x36: {  	v2 =	vld [tilespmem:s25+$0xFFFFFF80]  }
0x37: {  	v3 =	vld [tilespmem:s24+$0xFFFFFFD0]  }
0x38: {  	v4 =	vld [tilespmem:s25+$0xFFFFFFC0]  }
0x39: {  	v5 =	vld [tilespmem:s24+$0xFFFFFFF0]  }
0x3a: {  	v6 =	vld [tilespmem:s25+$0x0]  }
0x3b: {  	v7 =	vld [tilespmem:s24+$0x0]  }
0x3c: {  	v8 =	vld [tilespmem:s25+$0x40];
	v1 =	vmul.f32 v1, v3;
	v2 =	vmul.f32 v2, v0  }
0x3d: {  	v9 =	vld [tilespmem:s24+$0x10]  }
0x3e: {  	v53 =	vld [tilespmem:s25+$0x80];
	v1 =	vadd.f32 v2, v1;
	v2 =	vmul.f32 v4, v5  }
0x3f: {  	v10 =	vld [tilespmem:s24+$0x20]  }
0x40: {  	v1 =	vadd.f32 v2, v1;
	v2 =	vmul.f32 v6, v7;
	_ =	sdelay $0x1  }
0x41: {  	v1 =	vadd.f32 v2, v1;
	v2 =	vmul.f32 v8, v9;
	_ =	sdelay $0x1  }
0x42: {  	v1 =	vadd.f32 v2, v1;
	v2 =	vmul.f32 v53, v10;
	_ =	sdelay $0x1  }
0x43: {  	v1 =	vadd.f32 v2, v1  }
0x44: {  	s26 =	simm.s32 $0x0  }
0x45: {  	[tilespmem:s26+$0xF300] =	vst v1  }
0x46: {  	v1 =	vld [tilespmem:s25+$0xFFFFFF50]  }
0x47: {  	v2 =	vld [tilespmem:s25+$0xFFFFFF90];
	_ =	sdelay $0x1  }
0x48: {  	v54 =	vld [tilespmem:s25+$0xFFFFFFD0];
	_ =	sdelay $0x1  }
0x49: {  	v55 =	vld [tilespmem:s25+$0x10]  }
0x4a: {  	v1 =	vmul.f32 v1, v3;
	v2 =	vmul.f32 v2, v0  }
0x4b: {  	v56 =	vld [tilespmem:s25+$0x50]  }
0x4c: {  	v1 =	vadd.f32 v2, v1;
	v2 =	vmul.f32 v54, v5  }
0x4d: {  	v57 =	vld [tilespmem:s25+$0x90]  }
0x4e: {  	v1 =	vadd.f32 v2, v1;
	v2 =	vmul.f32 v55, v7;
	_ =	sdelay $0x1  }
0x4f: {  	v1 =	vadd.f32 v2, v1;
	v2 =	vmul.f32 v56, v9;
	_ =	sdelay $0x1  }
0x50: {  	v1 =	vadd.f32 v2, v1;
	v2 =	vmul.f32 v57, v10;
	_ =	sdelay $0x1  }
0x51: {  	v1 =	vadd.f32 v2, v1;
	_ =	sdelay $0x1  }
0x52: {  	[tilespmem:s26+$0xF310] =	vst v1  }
0x53: {  	v1 =	vld [tilespmem:s25+$0xFFFFFF60]  }
0x54: {  	v2 =	vld [tilespmem:s25+$0xFFFFFFA0];
	_ =	sdelay $0x1  }
0x55: {  	v58 =	vld [tilespmem:s25+$0xFFFFFFE0];
	_ =	sdelay $0x1  }
0x56: {  	v59 =	vld [tilespmem:s25+$0x20]  }
0x57: {  	v1 =	vmul.f32 v1, v3;
	v2 =	vmul.f32 v2, v0  }
0x58: {  	v60 =	vld [tilespmem:s25+$0x60]  }
0x59: {  	v1 =	vadd.f32 v2, v1;
	v2 =	vmul.f32 v58, v5  }
0x5a: {  	v61 =	vld [tilespmem:s25+$0xA0]  }
0x5b: {  	v1 =	vadd.f32 v2, v1;
	v2 =	vmul.f32 v59, v7;
	_ =	sdelay $0x1  }
0x5c: {  	v1 =	vadd.f32 v2, v1;
	v2 =	vmul.f32 v60, v9;
	_ =	sdelay $0x1  }
0x5d: {  	v1 =	vadd.f32 v2, v1;
	v2 =	vmul.f32 v61, v10;
	_ =	sdelay $0x1  }
0x5e: {  	v1 =	vadd.f32 v2, v1;
	_ =	sdelay $0x1  }
0x5f: {  	[tilespmem:s26+$0xF320] =	vst v1  }
0x60: {  	v1 =	vld [tilespmem:s25+$0xFFFFFF70]  }
0x61: {  	v2 =	vld [tilespmem:s25+$0xFFFFFFB0];
	_ =	sdelay $0x1  }
0x62: {  	v62 =	vld [tilespmem:s25+$0xFFFFFFF0];
	_ =	sdelay $0x1  }
0x63: {  	v63 =	vld [tilespmem:s25+$0x30]  }
0x64: {  	v1 =	vmul.f32 v1, v3;
	v0 =	vmul.f32 v2, v0  }
0x65: {  	v2 =	vld [tilespmem:s25+$0x70]  }
0x66: {  	v0 =	vadd.f32 v0, v1;
	v1 =	vmul.f32 v62, v5  }
0x67: {  	v3 =	vld [tilespmem:s25+$0xB0]  }
0x68: {  	v0 =	vadd.f32 v1, v0;
	v1 =	vmul.f32 v63, v7;
	_ =	sdelay $0x1  }
0x69: {  	v0 =	vadd.f32 v1, v0;
	v1 =	vmul.f32 v2, v9;
	_ =	sdelay $0x1  }
0x6a: {  	s28 =	simm.s32 $0x100;
	v0 =	vadd.f32 v1, v0;
	v1 =	vmul.f32 v3, v10  }
.LBB2_2:
0x6b: {  	p0 =	sne.s32 s28, $0x7F00;
	s25 =	sadd.s32 $0x180, s25;
	s24 =	sadd.s32 $0x60, s24  }
0x6c: {  	s29 =	smov.u32 s28;
	s28 =	sadd.s32 $0x100, s28;
	v0 =	vadd.f32 v1, v0;
	_ =	sdelay $0x1  }
0x6d: {  	[tilespmem:s26+$0xF330] =	vst v0  }
0x6e: {  	v0 =	vld [tilespmem:s24+$0xFFFFFFE0]  }
0x6f: {  	v1 =	vld [tilespmem:s25+$0xFFFFFF40]  }
0x70: {  	v2 =	vld [tilespmem:s25+$0xFFFFFF80]  }
0x71: {  	v3 =	vld [tilespmem:s24+$0xFFFFFFD0]  }
0x72: {  	v4 =	vld [tilespmem:s25+$0xFFFFFFC0]  }
0x73: {  	v5 =	vld [tilespmem:s24+$0xFFFFFFF0]  }
0x74: {  	v6 =	vld [tilespmem:s25+$0x0]  }
0x75: {  	v7 =	vld [tilespmem:s24+$0x0]  }
0x76: {  	v2 =	vmul.f32 v2, v0;
	v1 =	vmul.f32 v1, v3;
	v8 =	vld [tilespmem:s25+$0x40]  }
0x77: {  	v9 =	vld [tilespmem:s24+$0x10]  }
0x78: {  	v1 =	vadd.f32 v2, v1;
	v2 =	vmul.f32 v4, v5;
	v4 =	vld [tilespmem:s25+$0x80]  }
0x79: {  	v10 =	vld [tilespmem:s24+$0x20]  }
0x7a: {  	v1 =	vadd.f32 v2, v1;
	v2 =	vmul.f32 v6, v7;
	_ =	sdelay $0x1  }
0x7b: {  	v1 =	vadd.f32 v2, v1;
	v2 =	vmul.f32 v8, v9;
	_ =	sdelay $0x1  }
0x7c: {  	v1 =	vadd.f32 v2, v1;
	v2 =	vmul.f32 v4, v10;
	_ =	sdelay $0x1  }
0x7d: {  	v1 =	vadd.f32 v2, v1  }
0x7e: {  	s26 =	sshra.s32 s29, $0x2  }
0x7f: {  	[tilespmem:s26+$0xF300] =	vst v1  }
0x80: {  	v1 =	vld [tilespmem:s25+$0xFFFFFF50]  }
0x81: {  	v2 =	vld [tilespmem:s25+$0xFFFFFF90];
	_ =	sdelay $0x1  }
0x82: {  	v4 =	vld [tilespmem:s25+$0xFFFFFFD0];
	_ =	sdelay $0x1  }
0x83: {  	v1 =	vmul.f32 v1, v3;
	v6 =	vld [tilespmem:s25+$0x10]  }
0x84: {  	v2 =	vmul.f32 v2, v0  }
0x85: {  	v8 =	vld [tilespmem:s25+$0x50]  }
0x86: {  	v1 =	vadd.f32 v2, v1;
	v2 =	vmul.f32 v4, v5  }
0x87: {  	v4 =	vld [tilespmem:s25+$0x90]  }
0x88: {  	v1 =	vadd.f32 v2, v1;
	v2 =	vmul.f32 v6, v7;
	_ =	sdelay $0x1  }
0x89: {  	v1 =	vadd.f32 v2, v1;
	v2 =	vmul.f32 v8, v9;
	_ =	sdelay $0x1  }
0x8a: {  	v1 =	vadd.f32 v2, v1;
	v2 =	vmul.f32 v4, v10;
	_ =	sdelay $0x1  }
0x8b: {  	v1 =	vadd.f32 v2, v1;
	_ =	sdelay $0x1  }
0x8c: {  	[tilespmem:s26+$0xF310] =	vst v1  }
0x8d: {  	v1 =	vld [tilespmem:s25+$0xFFFFFF60]  }
0x8e: {  	v2 =	vld [tilespmem:s25+$0xFFFFFFA0];
	_ =	sdelay $0x1  }
0x8f: {  	v4 =	vld [tilespmem:s25+$0xFFFFFFE0];
	_ =	sdelay $0x1  }
0x90: {  	v1 =	vmul.f32 v1, v3;
	v6 =	vld [tilespmem:s25+$0x20]  }
0x91: {  	v2 =	vmul.f32 v2, v0  }
0x92: {  	v8 =	vld [tilespmem:s25+$0x60]  }
0x93: {  	v1 =	vadd.f32 v2, v1;
	v2 =	vmul.f32 v4, v5  }
0x94: {  	v4 =	vld [tilespmem:s25+$0xA0]  }
0x95: {  	v1 =	vadd.f32 v2, v1;
	v2 =	vmul.f32 v6, v7;
	_ =	sdelay $0x1  }
0x96: {  	v1 =	vadd.f32 v2, v1;
	v2 =	vmul.f32 v8, v9;
	_ =	sdelay $0x1  }
0x97: {  	v1 =	vadd.f32 v2, v1;
	v2 =	vmul.f32 v4, v10;
	_ =	sdelay $0x1  }
0x98: {  	v1 =	vadd.f32 v2, v1;
	_ =	sdelay $0x1  }
0x99: {  	[tilespmem:s26+$0xF320] =	vst v1  }
0x9a: {  	v1 =	vld [tilespmem:s25+$0xFFFFFF70]  }
0x9b: {  	v2 =	vld [tilespmem:s25+$0xFFFFFFB0]  }
0x9c: {  	v4 =	vld [tilespmem:s25+$0xFFFFFFF0]  }
0x9d: {  	v6 =	vld [tilespmem:s25+$0x30]  }
0x9e: {  	v8 =	vld [tilespmem:s25+$0x70]  }
0x9f: {  	v1 =	vmul.f32 v1, v3;
	v3 =	vld [tilespmem:s25+$0xB0]  }
0xa0: {  	v0 =	vmul.f32 v2, v0;
	_ =	sdelay $0x1  }
0xa1: {  	v0 =	vadd.f32 v0, v1;
	v1 =	vmul.f32 v4, v5;
	_ =	sdelay $0x1  }
.Ltmp0:
0xa2: {  	v0 =	vadd.f32 v1, v0;
	v1 =	vmul.f32 v6, v7;
	(pc) =	sbr.rel @p0 .LBB2_2-.Ltmp0, $3  }
0xa3: {  	_ = 	snop  }
0xa4: {  	v0 =	vadd.f32 v1, v0;
	v1 =	vmul.f32 v8, v9;
	_ =	sdelay $0x1  }
0xa5: {  	v0 =	vadd.f32 v1, v0;
	v1 =	vmul.f32 v3, v10  }
0xa6: {  	_ = 	snop  }
0xa7: {  	s23 =	sadd.s32 $0x1, s23;
	v0 =	vadd.f32 v1, v0  }
0xa8: {  	p0 =	sne.s32 s23, s7  }
.Ltmp1:
0xa9: {  	[tilespmem:s26+$0xF330] =	vst v0;
	(pc) =	sbr.rel @p0 .LBB2_1-.Ltmp1, $4  }
0xaa: {  	[hbm4b:s6+s2] =	stream.linear.scatter [tilespmem:s22], [sflag:$0x2], $0x2000, $0x38;
	[tilespmem:$0x11300] =	vst v63  }
0xab: {  	_ =	swait.ge [sflag:s8], $0x2000  }
0xac: {  	[sflag:s8] =	ssyncset.done $0x0  }
0xad: {  	[sflag:s8] =	ssyncadd.s32 $0xFFFFE000  }
0xae: {  	_ =	sfence.sel $0x180000  }
0xaf: {  	[bflag:$0x0] =	sbarrier.arrive $0xFFFF  }
0xb0: {  	p0 =	sne.s32 s0, $0x0;
	_ =	strace $0x90000047  }
0xb1: {  	s0 =	sadd.s32 @!p0 $0x100000, s1;
	[bflag:$0x2] =	sbarrier.arrive $0xFFFF  }
0xb2: {  	[sflag:s0] =	ssyncadd.tile.s32 @!p0 $0x1;
	_ =	shalt  }
.Lfunc_end2:
_tile_overlayer_lowered:
.L_overlay_start_2:
0xb3: {  	(tag) =	ssettag $0x2  }
0xb4: {  	s0 =	rddreg [dreg:$0x0];
	s2 =	stileid.u32  }
0xb5: {  	s1 =	rddreg [dreg:$0x1];
	p0 =	sne.s32 s2, $0x0  }
0xb6: {  	s3 =	rddreg [dreg:$0x2];
	[bflag:$0x3] =	sbarrier.arrive $0xFFFF;
	s2 =	simm.s32 @!p0 $0x1C02  }
0xb7: {  	[timem:s3], [sflag:s2] =	dma.local @!p0 [hbm:s0], s1  }
0xb8: {  	s0 =	simm.s32 @!p0 $0x2  }
0xb9: {  	_ =	swait.ge @!p0 [sflag:s0], s1  }
0xba: {  	s1 =	ssub.s32 @!p0 $0x0, s1;
	[sflag:s0] =	ssyncset.done @!p0 $0x0  }
0xbb: {  	[sflag:s0] =	ssyncadd.s32 @!p0 s1  }
0xbc: {  	[bflag:$0x3] =	sbarrier.arrive $0xFFFF  }
0xbd: {  	_ =	shalt  }

</sc_bundles>
